<compile_context>
chip_gen: v7x
topology: tpu7x:2x2x1
jax: 0.10.2.dev20260603
libtpu: 0.0.44.dev20260713+nightly
codegen_flags: <defaults>
</compile_context>

<pallas_src>
import functools

import jax
import jax.numpy as jnp
from jax import lax
from jax.experimental import pallas as pl
from jax.experimental.pallas import tpu as pltpu
from jax.experimental.pallas import tpu_sc as plsc

KNN = 32
M = 1024
D = 256
BLK = 512
NSETS = 8
NSC = 4
NTC = NSETS - NSC
NROWS_SC = NSC * M
NW = 32
RPW = NROWS_SC // NW
ROWS_STAGE = 32
NCHUNK = M // 16


def _nd(a, b):
    dots = jax.lax.dot_general(
        a, b, (((1,), (1,)), ((), ())), preferred_element_type=jnp.float32
    )
    sq_r = jnp.sum(a * a, axis=1, keepdims=True)
    sq_c = jnp.sum(b * b, axis=1, keepdims=True).reshape(1, M)
    return -((sq_r + sq_c) - 2.0 * dots)


def _dist_body(a_ref, b_ref, out_ref):
    out_ref[0] = _nd(a_ref[0], b_ref[0])


def _dist(x):
    return pl.pallas_call(
        _dist_body,
        grid=(NSC, M // BLK),
        in_specs=[
            pl.BlockSpec((1, BLK, D), lambda n, r: (n, r, 0)),
            pl.BlockSpec((1, M, D), lambda n, r: (n, 0, 0)),
        ],
        out_specs=pl.BlockSpec((1, BLK, M), lambda n, r: (n, r, 0)),
        out_shape=jax.ShapeDtypeStruct((NSC, M, M), jnp.float32),
    )(x, x)


@functools.partial(
    pl.kernel,
    out_type=jax.ShapeDtypeStruct((NROWS_SC, KNN), jnp.int32),
    mesh=plsc.VectorSubcoreMesh(core_axis_name="c", subcore_axis_name="s"),
    compiler_params=pltpu.CompilerParams(needs_layout_passes=False),
    scratch_types=[
        pltpu.VMEM((ROWS_STAGE, M), jnp.float32),
        pltpu.VMEM((ROWS_STAGE, KNN), jnp.int32),
    ],
)
def _sc_topk(nd_hbm, out_hbm, buf, obuf):
    wid = lax.axis_index("s") * 2 + lax.axis_index("c")
    base_row = wid * RPW
    lane = lax.iota(jnp.int32, 16)
    ninf = jnp.full((16,), -jnp.inf, jnp.float32)
    zero = jnp.zeros((16,), jnp.int32)

    def stage_body(g, _):
        row0 = base_row + g * ROWS_STAGE
        pltpu.sync_copy(nd_hbm.at[pl.ds(row0, ROWS_STAGE)], buf)

        def merge(t0v, t0i, t1v, t1i, v, iv):
            vs, ivs = plsc.sort_key_val(v, iv, descending=True)
            rv = lax.rev(vs, (0,))
            ri = lax.rev(ivs, (0,))
            c1 = t1v >= rv
            bv = jnp.maximum(t1v, rv)
            bi = jnp.where(c1, t1i, ri)
            bvs, bis = plsc.sort_key_val(bv, bi, descending=True)
            rb = lax.rev(bvs, (0,))
            rbi = lax.rev(bis, (0,))
            c2 = t0v >= rb
            ev = jnp.maximum(t0v, rb)
            ei = jnp.where(c2, t0i, rbi)
            fv = jnp.minimum(t0v, rb)
            fi = jnp.where(c2, rbi, t0i)
            t0v, t0i = plsc.sort_key_val(ev, ei, descending=True)
            t1v, t1i = plsc.sort_key_val(fv, fi, descending=True)
            return t0v, t0i, t1v, t1i

        def row_body(rp, _):
            ra = 2 * rp
            rb_ = 2 * rp + 1
            offa = ((row0 + ra) // M) * M
            offb = ((row0 + rb_) // M) * M

            def chunk_body(c, carry):
                a0v, a0i, a1v, a1i, b0v, b0i, b1v, b1i = carry
                iv = lane + c * 16
                va = buf[ra, pl.ds(c * 16, 16)]
                vb = buf[rb_, pl.ds(c * 16, 16)]
                a0v, a0i, a1v, a1i = merge(a0v, a0i, a1v, a1i, va, iv)
                b0v, b0i, b1v, b1i = merge(b0v, b0i, b1v, b1i, vb, iv)
                return a0v, a0i, a1v, a1i, b0v, b0i, b1v, b1i

            a0v, a0i, a1v, a1i, b0v, b0i, b1v, b1i = lax.fori_loop(
                0, NCHUNK, chunk_body,
                (ninf, zero, ninf, zero, ninf, zero, ninf, zero),
            )
            obuf[ra, pl.ds(0, 16)] = a0i + offa
            obuf[ra, pl.ds(16, 16)] = a1i + offa
            obuf[rb_, pl.ds(0, 16)] = b0i + offb
            obuf[rb_, pl.ds(16, 16)] = b1i + offb
            return 0

        lax.fori_loop(0, ROWS_STAGE // 2, row_body, 0)
        pltpu.sync_copy(obuf, out_hbm.at[pl.ds(row0, ROWS_STAGE)])
        return 0

    lax.fori_loop(0, RPW // ROWS_STAGE, stage_body, 0)


def _fused_body(a_ref, b_ref, out_ref, nd_ref):
    n = pl.program_id(0)
    r = pl.program_id(1)
    nd = _nd(a_ref[0], b_ref[0])
    fiota = jax.lax.broadcasted_iota(jnp.int32, (BLK, M), 1).astype(jnp.float32)
    offset = (n + NSC) * M
    neg_inf = jnp.float32(-jnp.inf)
    big = jnp.float32(2048.0)
    row = jax.lax.broadcasted_iota(jnp.int32, (BLK, 1), 0) + r * BLK
    out_ref[0, :, 0:1] = row + offset
    nd_ref[...] = jnp.where(fiota == row.astype(jnp.float32), neg_inf, nd)
    j = None
    for k in range(1, KNN):
        nd = nd_ref[...]
        if k > 1:
            nd = jnp.where(fiota == j, neg_inf, nd)
            nd_ref[...] = nd
        m = jnp.max(nd, axis=1, keepdims=True)
        cand = jnp.where(nd == m, fiota, big)
        j = jnp.min(cand, axis=1, keepdims=True)
        out_ref[0, :, k : k + 1] = j.astype(jnp.int32) + offset


def _fused(x):
    return pl.pallas_call(
        _fused_body,
        grid=(NTC, M // BLK),
        in_specs=[
            pl.BlockSpec((1, BLK, D), lambda n, r: (n + NSC, r, 0)),
            pl.BlockSpec((1, M, D), lambda n, r: (n + NSC, 0, 0)),
        ],
        out_specs=pl.BlockSpec((1, BLK, KNN), lambda n, r: (n, r, 0)),
        out_shape=jax.ShapeDtypeStruct((NTC, M, KNN), jnp.int32),
        scratch_shapes=[pltpu.VMEM((BLK, M), jnp.float32)],
    )(x, x)


def kernel(input):
    x = input
    if x.ndim == 2:
        x = x[None]
    nd_sc = _dist(x).reshape(NROWS_SC, M)
    idx_sc = _sc_topk(nd_sc)
    idx_tc = _fused(x).reshape(NTC * M, KNN)
    idx = jnp.concatenate([idx_sc, idx_tc], axis=0)
    src = idx.reshape(-1).astype(jnp.int64)
    dst = jnp.repeat(jnp.arange(NSETS * M), KNN).astype(jnp.int64)
    return src, dst

# --- scband reference (transcript-rebuilt; emitter-appended) ---
"""Pipeline reference for scband-nearest-neighbor-graph-50560355008512 (READ-ONLY COPY).

The authoritative reference and input builder live on the scoring server;
editing this copy changes nothing except your own understanding.
"""

import jax, jax.numpy as jnp
import numpy as np

K = 32


def setup_inputs(seed: int = 0) -> dict:
    key = jax.random.key(seed)
    inp = jax.random.normal(key, (8, 1024, 256), dtype=jnp.float32)
    return {"input": inp}


def reference(input):
    # Faithful kNN-graph construction (DGL-style knn_graph):
    # for each point, find its k nearest neighbors (by squared Euclidean
    # distance, self included) within its own point set, then emit edges
    # src -> dst with global node ids  (set i, point j) -> i * M + j.
    x = input
    if x.ndim == 2:
        x = x[None]
    N, M, D = x.shape
    sq = jnp.sum(x * x, axis=-1)  # [N, M]
    # ||a - b||^2 = |a|^2 + |b|^2 - 2 a.b  (compute-heavy einsum: N*M*M*D)
    dots = jnp.einsum('nmd,npd->nmp', x, x)  # [N, M, M]
    dist2 = sq[:, :, None] + sq[:, None, :] - 2.0 * dots
    neg = -dist2
    vals, idx = jax.lax.top_k(neg, K)  # k smallest distances per point
    offsets = (jnp.arange(N) * M)[:, None, None]  # global node-id offsets
    src = (idx + offsets).reshape(-1)
    dst = jnp.repeat(jnp.arange(N * M), K)
    return src.astype(jnp.int64), dst.astype(jnp.int64)

if __name__ == "__main__":
    import jax
    _d = setup_inputs()
    print(jax.jit(kernel)(*tuple(_d.values())))

</pallas_src>

<mosaic_0001>
#map = affine_map<(d0, d1) -> (0, 0)>
module attributes {stable_mosaic.version = 14 : i64} {
  func.func @_sc_topk(%arg0: i32, %arg1: i32, %arg2: memref<4096x1024xf32, #tpu.memory_space<hbm>>, %arg3: memref<4096x32xi32, #tpu.memory_space<hbm>>, %arg4: memref<32x1024xf32, #tpu.memory_space<vmem>>, %arg5: memref<32x32xi32, #tpu.memory_space<vmem>>) attributes {dimension_semantics = [#tpu.dimension_semantics<core_parallel>, #tpu.dimension_semantics<subcore_parallel>], iteration_bounds = array<i64: 2, 16>, scalar_prefetch = 0 : i64, scratch_operands = 2 : i64, tpu.core_type = #tpu.core_type<sc_vector_subcore>, window_params = [{transform_indices = #map}, {transform_indices = #map}]} {
    %mul3A = arith.constant 2 : i32
    %mul3A_0 = arith.muli %arg1, %mul3A : i32
    %add3A = arith.addi %mul3A_0, %arg0 : i32
    %mul3A_1 = arith.constant 128 : i32
    %mul3A_2 = arith.muli %add3A, %mul3A_1 : i32
    %iota3A = tpu.iota {dimensions = array<i32: 0>} : vector<16xi32>
    %broadcast_in_dim3A = arith.constant 0xFF800000 : f32
    %broadcast_in_dim3A_3 = vector.broadcast %broadcast_in_dim3A : f32 to vector<16xf32>
    %broadcast_in_dim3A_4 = arith.constant 0 : i32
    %broadcast_in_dim3A_5 = vector.broadcast %broadcast_in_dim3A_4 : i32 to vector<16xi32>
    %scan3A = arith.constant 0 : i32
    %scan3A_6 = arith.constant 0 : i32
    %scan3A_7 = arith.constant 4 : i32
    %scan3A_8 = arith.addi %scan3A_6, %scan3A_7 : i32
    %scan3A_9 = arith.constant 1 : i32
    %scan3A_10 = scf.for %scan3A_12 = %scan3A_6 to %scan3A_8 step %scan3A_9 iter_args(%scan3A_13 = %scan3A) -> (i32)  : i32 {
      %mul3A_14 = arith.constant 32 : i32
      %mul3A_15 = arith.muli %scan3A_12, %mul3A_14 : i32
      %add3A_16 = arith.addi %mul3A_2, %mul3A_15 : i32
      "tpu.region"() ({
        %run_scoped3A = tpu.sem_alloc : memref<!tpu.dma_semaphore, #tpu.memory_space<semaphore_mem>>
        %dma_start3A = arith.constant 0 : i32
        %dma_start3A_25 = tpu.memref_slice %arg2[%add3A_16, %dma_start3A] : memref<4096x1024xf32, #tpu.memory_space<hbm>> -> memref<32x1024xf32, #tpu.memory_space<hbm>>
        %dma_start3A_26 = arith.constant 0 : i32
        %dma_start3A_27 = tpu.memref_slice %arg2[%add3A_16, %dma_start3A_26] : memref<4096x1024xf32, #tpu.memory_space<hbm>> -> memref<32x1024xf32, #tpu.memory_space<hbm>>
        tpu.enqueue_dma source(%dma_start3A_27 : memref<32x1024xf32, #tpu.memory_space<hbm>>) target(%arg4 : memref<32x1024xf32, #tpu.memory_space<vmem>>) target_semaphore(%run_scoped3A : memref<!tpu.dma_semaphore, #tpu.memory_space<semaphore_mem>>)
        %dma_wait3A = arith.constant 0 : i32
        %dma_wait3A_28 = tpu.memref_slice %arg2[%add3A_16, %dma_wait3A] : memref<4096x1024xf32, #tpu.memory_space<hbm>> -> memref<32x1024xf32, #tpu.memory_space<hbm>>
        %dma_wait3A_29 = arith.constant 0 : i32
        %dma_wait3A_30 = tpu.memref_slice %arg2[%add3A_16, %dma_wait3A_29] : memref<4096x1024xf32, #tpu.memory_space<hbm>> -> memref<32x1024xf32, #tpu.memory_space<hbm>>
        tpu.wait_dma2 semaphore(%run_scoped3A : memref<!tpu.dma_semaphore, #tpu.memory_space<semaphore_mem>>) src(%dma_wait3A_30 : memref<32x1024xf32, #tpu.memory_space<hbm>>) dst(%arg4 : memref<32x1024xf32, #tpu.memory_space<vmem>>)
        tpu.yield
      }) : () -> ()
      %scan3A_17 = arith.constant 0 : i32
      %scan3A_18 = arith.constant 0 : i32
      %scan3A_19 = arith.constant 16 : i32
      %scan3A_20 = arith.addi %scan3A_18, %scan3A_19 : i32
      %scan3A_21 = arith.constant 1 : i32
      %scan3A_22 = scf.for %scan3A_25 = %scan3A_18 to %scan3A_20 step %scan3A_21 iter_args(%scan3A_26 = %scan3A_17) -> (i32)  : i32 {
        %mul3A_27 = arith.constant 2 : i32
        %mul3A_28 = arith.muli %mul3A_27, %scan3A_25 : i32
        %mul3A_29 = arith.constant 2 : i32
        %mul3A_30 = arith.muli %mul3A_29, %scan3A_25 : i32
        %add3A_31 = arith.constant 1 : i32
        %add3A_32 = arith.addi %mul3A_30, %add3A_31 : i32
        %add3A_33 = arith.addi %add3A_16, %mul3A_28 : i32
        %jit3A = arith.constant 1024 : i32
        %div3A = arith.divsi %add3A_33, %jit3A : i32
        %sign3A = arith.constant 0 : i32
        %sign3A_34 = arith.cmpi sgt, %add3A_33, %sign3A : i32
        %sign3A_35 = arith.extui %sign3A_34 : i1 to i32
        %sign3A_36 = arith.constant 0 : i32
        %sign3A_37 = arith.cmpi slt, %add3A_33, %sign3A_36 : i32
        %sign3A_38 = arith.extui %sign3A_37 : i1 to i32
        %sign3A_39 = arith.subi %sign3A_35, %sign3A_38 : i32
        %sign3A_40 = arith.constant 0 : i32
        %sign3A_41 = arith.cmpi sgt, %jit3A, %sign3A_40 : i32
        %sign3A_42 = arith.extui %sign3A_41 : i1 to i32
        %sign3A_43 = arith.constant 0 : i32
        %sign3A_44 = arith.cmpi slt, %jit3A, %sign3A_43 : i32
        %sign3A_45 = arith.extui %sign3A_44 : i1 to i32
        %sign3A_46 = arith.subi %sign3A_42, %sign3A_45 : i32
        %ne3A = arith.cmpi ne, %sign3A_39, %sign3A_46 : i32
        %rem3A = arith.remsi %add3A_33, %jit3A : i32
        %ne3A_47 = arith.constant 0 : i32
        %ne3A_48 = arith.cmpi ne, %rem3A, %ne3A_47 : i32
        %and3A = arith.andi %ne3A, %ne3A_48 : i1
        %sub3A = arith.constant 1 : i32
        %sub3A_49 = arith.subi %div3A, %sub3A : i32
        %select_n3A = arith.select %and3A, %sub3A_49, %div3A : i32
        %mul3A_50 = arith.constant 1024 : i32
        %mul3A_51 = arith.muli %select_n3A, %mul3A_50 : i32
        %add3A_52 = arith.addi %add3A_16, %add3A_32 : i32
        %jit3A_53 = arith.constant 1024 : i32
        %div3A_54 = arith.divsi %add3A_52, %jit3A_53 : i32
        %sign3A_55 = arith.constant 0 : i32
        %sign3A_56 = arith.cmpi sgt, %add3A_52, %sign3A_55 : i32
        %sign3A_57 = arith.extui %sign3A_56 : i1 to i32
        %sign3A_58 = arith.constant 0 : i32
        %sign3A_59 = arith.cmpi slt, %add3A_52, %sign3A_58 : i32
        %sign3A_60 = arith.extui %sign3A_59 : i1 to i32
        %sign3A_61 = arith.subi %sign3A_57, %sign3A_60 : i32
        %sign3A_62 = arith.constant 0 : i32
        %sign3A_63 = arith.cmpi sgt, %jit3A_53, %sign3A_62 : i32
        %sign3A_64 = arith.extui %sign3A_63 : i1 to i32
        %sign3A_65 = arith.constant 0 : i32
        %sign3A_66 = arith.cmpi slt, %jit3A_53, %sign3A_65 : i32
        %sign3A_67 = arith.extui %sign3A_66 : i1 to i32
        %sign3A_68 = arith.subi %sign3A_64, %sign3A_67 : i32
        %ne3A_69 = arith.cmpi ne, %sign3A_61, %sign3A_68 : i32
        %rem3A_70 = arith.remsi %add3A_52, %jit3A_53 : i32
        %ne3A_71 = arith.constant 0 : i32
        %ne3A_72 = arith.cmpi ne, %rem3A_70, %ne3A_71 : i32
        %and3A_73 = arith.andi %ne3A_69, %ne3A_72 : i1
        %sub3A_74 = arith.constant 1 : i32
        %sub3A_75 = arith.subi %div3A_54, %sub3A_74 : i32
        %select_n3A_76 = arith.select %and3A_73, %sub3A_75, %div3A_54 : i32
        %mul3A_77 = arith.constant 1024 : i32
        %mul3A_78 = arith.muli %select_n3A_76, %mul3A_77 : i32
        %scan3A_79 = arith.constant 0 : i32
        %scan3A_80 = arith.constant 64 : i32
        %scan3A_81 = arith.addi %scan3A_79, %scan3A_80 : i32
        %scan3A_82 = arith.constant 1 : i32
        %scan3A_83:8 = scf.for %scan3A_105 = %scan3A_79 to %scan3A_81 step %scan3A_82 iter_args(%scan3A_106 = %broadcast_in_dim3A_3, %scan3A_107 = %broadcast_in_dim3A_5, %scan3A_108 = %broadcast_in_dim3A_3, %scan3A_109 = %broadcast_in_dim3A_5, %scan3A_110 = %broadcast_in_dim3A_3, %scan3A_111 = %broadcast_in_dim3A_5, %scan3A_112 = %broadcast_in_dim3A_3, %scan3A_113 = %broadcast_in_dim3A_5) -> (vector<16xf32>, vector<16xi32>, vector<16xf32>, vector<16xi32>, vector<16xf32>, vector<16xi32>, vector<16xf32>, vector<16xi32>)  : i32 {
          %mul3A_114 = arith.constant 16 : i32
          %mul3A_115 = arith.muli %scan3A_105, %mul3A_114 : i32
          %add3A_116 = vector.broadcast %mul3A_115 : i32 to vector<16xi32>
          %add3A_117 = arith.addi %iota3A, %add3A_116 : vector<16xi32>
          %mul3A_118 = arith.constant 16 : i32
          %mul3A_119 = arith.muli %scan3A_105, %mul3A_118 : i32
          %get3A = arith.index_cast %mul3A_28 : i32 to index
          %get3A_120 = arith.index_cast %mul3A_119 : i32 to index
          %get3A_121 = tpu.vector_load %arg4[%get3A, %get3A_120] {strides = array<i32>} : memref<32x1024xf32, #tpu.memory_space<vmem>>, vector<16xf32>,
          %mul3A_122 = arith.constant 16 : i32
          %mul3A_123 = arith.muli %scan3A_105, %mul3A_122 : i32
          %get3A_124 = arith.index_cast %add3A_32 : i32 to index
          %get3A_125 = arith.index_cast %mul3A_123 : i32 to index
          %get3A_126 = tpu.vector_load %arg4[%get3A_124, %get3A_125] {strides = array<i32>} : memref<32x1024xf32, #tpu.memory_space<vmem>>, vector<16xf32>,
          %masked_sort3A = arith.constant dense<true> : vector<16xi1>
          %masked_sort3A_127, %masked_sort3A_128, %masked_sort3A_129 = tpu.sort %get3A_121, %add3A_117 masked %masked_sort3A {descending = true} : (vector<16xf32>, vector<16xi32>, vector<16xi1>) -> (vector<16xi1>, vector<16xf32>, vector<16xi32>)
          %rev3A = arith.constant 15 : i32
          %rev3A_130 = vector.broadcast %rev3A : i32 to vector<16xi32>
          %rev3A_131 = tpu.iota {dimensions = array<i32: 0>} : vector<16xi32>
          %rev3A_132 = arith.subi %rev3A_130, %rev3A_131 : vector<16xi32>
          %rev3A_133 = tpu.dynamic_gather %masked_sort3A_128[%rev3A_132] in [0] : vector<16xf32>, vector<16xi32> -> vector<16xf32>
          %rev3A_134 = arith.constant 15 : i32
          %rev3A_135 = vector.broadcast %rev3A_134 : i32 to vector<16xi32>
          %rev3A_136 = tpu.iota {dimensions = array<i32: 0>} : vector<16xi32>
          %rev3A_137 = arith.subi %rev3A_135, %rev3A_136 : vector<16xi32>
          %rev3A_138 = tpu.dynamic_gather %masked_sort3A_129[%rev3A_137] in [0] : vector<16xi32>, vector<16xi32> -> vector<16xi32>
          %ge3A = arith.cmpf oge, %scan3A_108, %rev3A_133 : vector<16xf32>
          %max3A = arith.maximumf %scan3A_108, %rev3A_133 : vector<16xf32>
          %select_n3A_139 = arith.select %ge3A, %scan3A_109, %rev3A_138 : vector<16xi1>, vector<16xi32>
          %masked_sort3A_140 = arith.constant dense<true> : vector<16xi1>
          %masked_sort3A_141, %masked_sort3A_142, %masked_sort3A_143 = tpu.sort %max3A, %select_n3A_139 masked %masked_sort3A_140 {descending = true} : (vector<16xf32>, vector<16xi32>, vector<16xi1>) -> (vector<16xi1>, vector<16xf32>, vector<16xi32>)
          %rev3A_144 = arith.constant 15 : i32
          %rev3A_145 = vector.broadcast %rev3A_144 : i32 to vector<16xi32>
          %rev3A_146 = tpu.iota {dimensions = array<i32: 0>} : vector<16xi32>
          %rev3A_147 = arith.subi %rev3A_145, %rev3A_146 : vector<16xi32>
          %rev3A_148 = tpu.dynamic_gather %masked_sort3A_142[%rev3A_147] in [0] : vector<16xf32>, vector<16xi32> -> vector<16xf32>
          %rev3A_149 = arith.constant 15 : i32
          %rev3A_150 = vector.broadcast %rev3A_149 : i32 to vector<16xi32>
          %rev3A_151 = tpu.iota {dimensions = array<i32: 0>} : vector<16xi32>
          %rev3A_152 = arith.subi %rev3A_150, %rev3A_151 : vector<16xi32>
          %rev3A_153 = tpu.dynamic_gather %masked_sort3A_143[%rev3A_152] in [0] : vector<16xi32>, vector<16xi32> -> vector<16xi32>
          %ge3A_154 = arith.cmpf oge, %scan3A_106, %rev3A_148 : vector<16xf32>
          %max3A_155 = arith.maximumf %scan3A_106, %rev3A_148 : vector<16xf32>
          %select_n3A_156 = arith.select %ge3A_154, %scan3A_107, %rev3A_153 : vector<16xi1>, vector<16xi32>
          %min3A = arith.minimumf %scan3A_106, %rev3A_148 : vector<16xf32>
          %select_n3A_157 = arith.select %ge3A_154, %rev3A_153, %scan3A_107 : vector<16xi1>, vector<16xi32>
          %masked_sort3A_158 = arith.constant dense<true> : vector<16xi1>
          %masked_sort3A_159, %masked_sort3A_160, %masked_sort3A_161 = tpu.sort %max3A_155, %select_n3A_156 masked %masked_sort3A_158 {descending = true} : (vector<16xf32>, vector<16xi32>, vector<16xi1>) -> (vector<16xi1>, vector<16xf32>, vector<16xi32>)
          %masked_sort3A_162 = arith.constant dense<true> : vector<16xi1>
          %masked_sort3A_163, %masked_sort3A_164, %masked_sort3A_165 = tpu.sort %min3A, %select_n3A_157 masked %masked_sort3A_162 {descending = true} : (vector<16xf32>, vector<16xi32>, vector<16xi1>) -> (vector<16xi1>, vector<16xf32>, vector<16xi32>)
          %masked_sort3A_166 = arith.constant dense<true> : vector<16xi1>
          %masked_sort3A_167, %masked_sort3A_168, %masked_sort3A_169 = tpu.sort %get3A_126, %add3A_117 masked %masked_sort3A_166 {descending = true} : (vector<16xf32>, vector<16xi32>, vector<16xi1>) -> (vector<16xi1>, vector<16xf32>, vector<16xi32>)
          %rev3A_170 = arith.constant 15 : i32
          %rev3A_171 = vector.broadcast %rev3A_170 : i32 to vector<16xi32>
          %rev3A_172 = tpu.iota {dimensions = array<i32: 0>} : vector<16xi32>
          %rev3A_173 = arith.subi %rev3A_171, %rev3A_172 : vector<16xi32>
          %rev3A_174 = tpu.dynamic_gather %masked_sort3A_168[%rev3A_173] in [0] : vector<16xf32>, vector<16xi32> -> vector<16xf32>
          %rev3A_175 = arith.constant 15 : i32
          %rev3A_176 = vector.broadcast %rev3A_175 : i32 to vector<16xi32>
          %rev3A_177 = tpu.iota {dimensions = array<i32: 0>} : vector<16xi32>
          %rev3A_178 = arith.subi %rev3A_176, %rev3A_177 : vector<16xi32>
          %rev3A_179 = tpu.dynamic_gather %masked_sort3A_169[%rev3A_178] in [0] : vector<16xi32>, vector<16xi32> -> vector<16xi32>
          %ge3A_180 = arith.cmpf oge, %scan3A_112, %rev3A_174 : vector<16xf32>
          %max3A_181 = arith.maximumf %scan3A_112, %rev3A_174 : vector<16xf32>
          %select_n3A_182 = arith.select %ge3A_180, %scan3A_113, %rev3A_179 : vector<16xi1>, vector<16xi32>
          %masked_sort3A_183 = arith.constant dense<true> : vector<16xi1>
          %masked_sort3A_184, %masked_sort3A_185, %masked_sort3A_186 = tpu.sort %max3A_181, %select_n3A_182 masked %masked_sort3A_183 {descending = true} : (vector<16xf32>, vector<16xi32>, vector<16xi1>) -> (vector<16xi1>, vector<16xf32>, vector<16xi32>)
          %rev3A_187 = arith.constant 15 : i32
          %rev3A_188 = vector.broadcast %rev3A_187 : i32 to vector<16xi32>
          %rev3A_189 = tpu.iota {dimensions = array<i32: 0>} : vector<16xi32>
          %rev3A_190 = arith.subi %rev3A_188, %rev3A_189 : vector<16xi32>
          %rev3A_191 = tpu.dynamic_gather %masked_sort3A_185[%rev3A_190] in [0] : vector<16xf32>, vector<16xi32> -> vector<16xf32>
          %rev3A_192 = arith.constant 15 : i32
          %rev3A_193 = vector.broadcast %rev3A_192 : i32 to vector<16xi32>
          %rev3A_194 = tpu.iota {dimensions = array<i32: 0>} : vector<16xi32>
          %rev3A_195 = arith.subi %rev3A_193, %rev3A_194 : vector<16xi32>
          %rev3A_196 = tpu.dynamic_gather %masked_sort3A_186[%rev3A_195] in [0] : vector<16xi32>, vector<16xi32> -> vector<16xi32>
          %ge3A_197 = arith.cmpf oge, %scan3A_110, %rev3A_191 : vector<16xf32>
          %max3A_198 = arith.maximumf %scan3A_110, %rev3A_191 : vector<16xf32>
          %select_n3A_199 = arith.select %ge3A_197, %scan3A_111, %rev3A_196 : vector<16xi1>, vector<16xi32>
          %min3A_200 = arith.minimumf %scan3A_110, %rev3A_191 : vector<16xf32>
          %select_n3A_201 = arith.select %ge3A_197, %rev3A_196, %scan3A_111 : vector<16xi1>, vector<16xi32>
          %masked_sort3A_202 = arith.constant dense<true> : vector<16xi1>
          %masked_sort3A_203, %masked_sort3A_204, %masked_sort3A_205 = tpu.sort %max3A_198, %select_n3A_199 masked %masked_sort3A_202 {descending = true} : (vector<16xf32>, vector<16xi32>, vector<16xi1>) -> (vector<16xi1>, vector<16xf32>, vector<16xi32>)
          %masked_sort3A_206 = arith.constant dense<true> : vector<16xi1>
          %masked_sort3A_207, %masked_sort3A_208, %masked_sort3A_209 = tpu.sort %min3A_200, %select_n3A_201 masked %masked_sort3A_206 {descending = true} : (vector<16xf32>, vector<16xi32>, vector<16xi1>) -> (vector<16xi1>, vector<16xf32>, vector<16xi32>)
          scf.yield %masked_sort3A_160, %masked_sort3A_161, %masked_sort3A_164, %masked_sort3A_165, %masked_sort3A_204, %masked_sort3A_205, %masked_sort3A_208, %masked_sort3A_209 : vector<16xf32>, vector<16xi32>, vector<16xf32>, vector<16xi32>, vector<16xf32>, vector<16xi32>, vector<16xf32>, vector<16xi32>
        }
        %scan3A_84 = arith.constant 64 : i32
        %add3A_85 = vector.broadcast %mul3A_51 : i32 to vector<16xi32>
        %add3A_86 = arith.addi %scan3A_83#1, %add3A_85 : vector<16xi32>
        %swap3A = arith.index_cast %mul3A_28 : i32 to index
        %swap3A_87 = arith.constant 0 : index
        %swap3A_88 = tpu.vector_load %arg5[%swap3A, %swap3A_87] {strides = array<i32>} : memref<32x32xi32, #tpu.memory_space<vmem>>, vector<16xi32>,
        tpu.vector_store %arg5[%swap3A, %swap3A_87], %add3A_86 {strides = array<i32>} : memref<32x32xi32, #tpu.memory_space<vmem>>, vector<16xi32>,
        %add3A_89 = vector.broadcast %mul3A_51 : i32 to vector<16xi32>
        %add3A_90 = arith.addi %scan3A_83#3, %add3A_89 : vector<16xi32>
        %swap3A_91 = arith.index_cast %mul3A_28 : i32 to index
        %swap3A_92 = arith.constant 16 : index
        %swap3A_93 = tpu.vector_load %arg5[%swap3A_91, %swap3A_92] {strides = array<i32>} : memref<32x32xi32, #tpu.memory_space<vmem>>, vector<16xi32>,
        tpu.vector_store %arg5[%swap3A_91, %swap3A_92], %add3A_90 {strides = array<i32>} : memref<32x32xi32, #tpu.memory_space<vmem>>, vector<16xi32>,
        %add3A_94 = vector.broadcast %mul3A_78 : i32 to vector<16xi32>
        %add3A_95 = arith.addi %scan3A_83#5, %add3A_94 : vector<16xi32>
        %swap3A_96 = arith.index_cast %add3A_32 : i32 to index
        %swap3A_97 = arith.constant 0 : index
        %swap3A_98 = tpu.vector_load %arg5[%swap3A_96, %swap3A_97] {strides = array<i32>} : memref<32x32xi32, #tpu.memory_space<vmem>>, vector<16xi32>,
        tpu.vector_store %arg5[%swap3A_96, %swap3A_97], %add3A_95 {strides = array<i32>} : memref<32x32xi32, #tpu.memory_space<vmem>>, vector<16xi32>,
        %add3A_99 = vector.broadcast %mul3A_78 : i32 to vector<16xi32>
        %add3A_100 = arith.addi %scan3A_83#7, %add3A_99 : vector<16xi32>
        %swap3A_101 = arith.index_cast %add3A_32 : i32 to index
        %swap3A_102 = arith.constant 16 : index
        %swap3A_103 = tpu.vector_load %arg5[%swap3A_101, %swap3A_102] {strides = array<i32>} : memref<32x32xi32, #tpu.memory_space<vmem>>, vector<16xi32>,
        tpu.vector_store %arg5[%swap3A_101, %swap3A_102], %add3A_100 {strides = array<i32>} : memref<32x32xi32, #tpu.memory_space<vmem>>, vector<16xi32>,
        %scan3A_104 = arith.constant 0 : i32
        scf.yield %scan3A_104 : i32
      }
      %scan3A_23 = arith.constant 16 : i32
      "tpu.region"() ({
        %run_scoped3A = tpu.sem_alloc : memref<!tpu.dma_semaphore, #tpu.memory_space<semaphore_mem>>
        %dma_start3A = arith.constant 0 : i32
        %dma_start3A_25 = tpu.memref_slice %arg3[%add3A_16, %dma_start3A] : memref<4096x32xi32, #tpu.memory_space<hbm>> -> memref<32x32xi32, #tpu.memory_space<hbm>>
        %dma_start3A_26 = arith.constant 0 : i32
        %dma_start3A_27 = tpu.memref_slice %arg3[%add3A_16, %dma_start3A_26] : memref<4096x32xi32, #tpu.memory_space<hbm>> -> memref<32x32xi32, #tpu.memory_space<hbm>>
        tpu.enqueue_dma source(%arg5 : memref<32x32xi32, #tpu.memory_space<vmem>>) target(%dma_start3A_27 : memref<32x32xi32, #tpu.memory_space<hbm>>) target_semaphore(%run_scoped3A : memref<!tpu.dma_semaphore, #tpu.memory_space<semaphore_mem>>)
        %dma_wait3A = arith.constant 0 : i32
        %dma_wait3A_28 = tpu.memref_slice %arg3[%add3A_16, %dma_wait3A] : memref<4096x32xi32, #tpu.memory_space<hbm>> -> memref<32x32xi32, #tpu.memory_space<hbm>>
        %dma_wait3A_29 = arith.constant 0 : i32
        %dma_wait3A_30 = tpu.memref_slice %arg3[%add3A_16, %dma_wait3A_29] : memref<4096x32xi32, #tpu.memory_space<hbm>> -> memref<32x32xi32, #tpu.memory_space<hbm>>
        tpu.wait_dma2 semaphore(%run_scoped3A : memref<!tpu.dma_semaphore, #tpu.memory_space<semaphore_mem>>) src(%arg5 : memref<32x32xi32, #tpu.memory_space<vmem>>) dst(%dma_wait3A_30 : memref<32x32xi32, #tpu.memory_space<hbm>>)
        tpu.yield
      }) : () -> ()
      %scan3A_24 = arith.constant 0 : i32
      scf.yield %scan3A_24 : i32
    }
    %scan3A_11 = arith.constant 4 : i32
    return
  }
}

module attributes {stable_mosaic.version = 14 : i64} {
  func.func @_dist_body(%arg0: i32, %arg1: i32, %arg2: memref<1x512x256xf32, #tpu.memory_space<vmem>>, %arg3: memref<1x1024x256xf32, #tpu.memory_space<vmem>>, %arg4: memref<1x512x1024xf32, #tpu.memory_space<vmem>>) attributes {dimension_semantics = [#tpu.dimension_semantics<arbitrary>, #tpu.dimension_semantics<arbitrary>], iteration_bounds = array<i64: 4, 2>, scalar_prefetch = 0 : i64, scratch_operands = 0 : i64, tpu.core_type = #tpu.core_type<tc>, window_params = [{transform_indices = @transform_0, window_bounds = array<i64: 1, 512, 256>}, {transform_indices = @transform_1, window_bounds = array<i64: 1, 1024, 256>}, {transform_indices = @transform_2, window_bounds = array<i64: 1, 512, 1024>}]} {
    %get3A = arith.constant 0 : index
    %get3A_0 = arith.constant 0 : index
    %get3A_1 = arith.constant 0 : index
    %get3A_2 = vector.load %arg2[%get3A, %get3A_0, %get3A_1] : memref<1x512x256xf32, #tpu.memory_space<vmem>>, vector<1x512x256xf32>
    %get3A_3 = vector.shape_cast %get3A_2 : vector<1x512x256xf32> to vector<512x256xf32>
    %get3A_4 = arith.constant 0 : index
    %get3A_5 = arith.constant 0 : index
    %get3A_6 = arith.constant 0 : index
    %get3A_7 = vector.load %arg3[%get3A_4, %get3A_5, %get3A_6] : memref<1x1024x256xf32, #tpu.memory_space<vmem>>, vector<1x1024x256xf32>
    %get3A_8 = vector.shape_cast %get3A_7 : vector<1x1024x256xf32> to vector<1024x256xf32>
    %dot_general3A = arith.constant dense<0.000000e+00> : vector<512x1024xf32>
    %dot_general3A_9 = tpu.matmul %get3A_3, %get3A_8, %dot_general3A {dimension_numbers = #tpu.dot_dimension_numbers<[1], [1], [0], [0], [0, 0, 1, 0], [], []>, transpose_lhs_hint = false} : vector<512x256xf32>, vector<1024x256xf32>, vector<512x1024xf32> -> vector<512x1024xf32>
    %mul3A = arith.mulf %get3A_3, %get3A_3 : vector<512x256xf32>
    %reduce_sum3A = arith.constant dense<0.000000e+00> : vector<512xf32>
    %reduce_sum3A_10 = vector.multi_reduction <add>, %mul3A, %reduce_sum3A [1] : vector<512x256xf32> to vector<512xf32>
    %broadcast_in_dim3A = vector.shape_cast %reduce_sum3A_10 : vector<512xf32> to vector<512x1xf32>
    %mul3A_11 = arith.mulf %get3A_8, %get3A_8 : vector<1024x256xf32>
    %reduce_sum3A_12 = arith.constant dense<0.000000e+00> : vector<1024xf32>
    %reduce_sum3A_13 = vector.multi_reduction <add>, %mul3A_11, %reduce_sum3A_12 [1] : vector<1024x256xf32> to vector<1024xf32>
    %broadcast_in_dim3A_14 = vector.shape_cast %reduce_sum3A_13 : vector<1024xf32> to vector<1024x1xf32>
    %reshape3A = vector.shape_cast %broadcast_in_dim3A_14 : vector<1024x1xf32> to vector<1x1024xf32>
    %add3A = vector.broadcast %broadcast_in_dim3A : vector<512x1xf32> to vector<512x1024xf32>
    %add3A_15 = vector.broadcast %reshape3A : vector<1x1024xf32> to vector<512x1024xf32>
    %add3A_16 = arith.addf %add3A, %add3A_15 : vector<512x1024xf32>
    %mul3A_17 = arith.constant 2.000000e+00 : f32
    %mul3A_18 = vector.broadcast %mul3A_17 : f32 to vector<512x1024xf32>
    %mul3A_19 = arith.mulf %mul3A_18, %dot_general3A_9 : vector<512x1024xf32>
    %sub3A = arith.subf %add3A_16, %mul3A_19 : vector<512x1024xf32>
    %neg3A = arith.constant 0.000000e+00 : f32
    %neg3A_20 = vector.broadcast %neg3A : f32 to vector<512x1024xf32>
    %neg3A_21 = arith.subf %neg3A_20, %sub3A : vector<512x1024xf32>
    %swap3A = arith.constant 0 : index
    %swap3A_22 = arith.constant 0 : index
    %swap3A_23 = arith.constant 0 : index
    %swap3A_24 = vector.load %arg4[%swap3A, %swap3A_22, %swap3A_23] : memref<1x512x1024xf32, #tpu.memory_space<vmem>>, vector<1x512x1024xf32>
    %swap3A_25 = vector.shape_cast %swap3A_24 : vector<1x512x1024xf32> to vector<512x1024xf32>
    %swap3A_26 = vector.shape_cast %neg3A_21 : vector<512x1024xf32> to vector<1x512x1024xf32>
    tpu.vector_store %arg4[%swap3A, %swap3A_22, %swap3A_23], %swap3A_26 {strides = array<i32>} : memref<1x512x1024xf32, #tpu.memory_space<vmem>>, vector<1x512x1024xf32>,
    return
  }
  func.func @transform_0(%arg0: i32, %arg1: i32) -> (i32, i32, i32) {
    %c0_i32 = arith.constant 0 : i32
    %c0_i32_0 = arith.constant 0 : i32
    return %arg0, %arg1, %c0_i32 : i32, i32, i32
  }
  func.func @transform_1(%arg0: i32, %arg1: i32) -> (i32, i32, i32) {
    %c0_i32 = arith.constant 0 : i32
    %c0_i32_0 = arith.constant 0 : i32
    %c0_i32_1 = arith.constant 0 : i32
    return %arg0, %c0_i32, %c0_i32_0 : i32, i32, i32
  }
  func.func @transform_2(%arg0: i32, %arg1: i32) -> (i32, i32, i32) {
    %c0_i32 = arith.constant 0 : i32
    %c0_i32_0 = arith.constant 0 : i32
    return %arg0, %arg1, %c0_i32 : i32, i32, i32
  }
}

module attributes {stable_mosaic.version = 14 : i64} {
  func.func @_fused_body(%arg0: i32, %arg1: i32, %arg2: memref<1x512x256xf32, #tpu.memory_space<vmem>>, %arg3: memref<1x1024x256xf32, #tpu.memory_space<vmem>>, %arg4: memref<1x512x32xi32, #tpu.memory_space<vmem>>, %arg5: memref<512x1024xf32, #tpu.memory_space<vmem>>) attributes {dimension_semantics = [#tpu.dimension_semantics<arbitrary>, #tpu.dimension_semantics<arbitrary>], iteration_bounds = array<i64: 4, 2>, scalar_prefetch = 0 : i64, scratch_operands = 1 : i64, tpu.core_type = #tpu.core_type<tc>, window_params = [{transform_indices = @transform_0, window_bounds = array<i64: 1, 512, 256>}, {transform_indices = @transform_1, window_bounds = array<i64: 1, 1024, 256>}, {transform_indices = @transform_2, window_bounds = array<i64: 1, 512, 32>}]} {
    %get3A = arith.constant 0 : index
    %get3A_0 = arith.constant 0 : index
    %get3A_1 = arith.constant 0 : index
    %get3A_2 = vector.load %arg2[%get3A, %get3A_0, %get3A_1] : memref<1x512x256xf32, #tpu.memory_space<vmem>>, vector<1x512x256xf32>
    %get3A_3 = vector.shape_cast %get3A_2 : vector<1x512x256xf32> to vector<512x256xf32>
    %get3A_4 = arith.constant 0 : index
    %get3A_5 = arith.constant 0 : index
    %get3A_6 = arith.constant 0 : index
    %get3A_7 = vector.load %arg3[%get3A_4, %get3A_5, %get3A_6] : memref<1x1024x256xf32, #tpu.memory_space<vmem>>, vector<1x1024x256xf32>
    %get3A_8 = vector.shape_cast %get3A_7 : vector<1x1024x256xf32> to vector<1024x256xf32>
    %dot_general3A = arith.constant dense<0.000000e+00> : vector<512x1024xf32>
    %dot_general3A_9 = tpu.matmul %get3A_3, %get3A_8, %dot_general3A {dimension_numbers = #tpu.dot_dimension_numbers<[1], [1], [0], [0], [0, 0, 1, 0], [], []>, transpose_lhs_hint = false} : vector<512x256xf32>, vector<1024x256xf32>, vector<512x1024xf32> -> vector<512x1024xf32>
    %mul3A = arith.mulf %get3A_3, %get3A_3 : vector<512x256xf32>
    %reduce_sum3A = arith.constant dense<0.000000e+00> : vector<512xf32>
    %reduce_sum3A_10 = vector.multi_reduction <add>, %mul3A, %reduce_sum3A [1] : vector<512x256xf32> to vector<512xf32>
    %broadcast_in_dim3A = vector.shape_cast %reduce_sum3A_10 : vector<512xf32> to vector<512x1xf32>
    %mul3A_11 = arith.mulf %get3A_8, %get3A_8 : vector<1024x256xf32>
    %reduce_sum3A_12 = arith.constant dense<0.000000e+00> : vector<1024xf32>
    %reduce_sum3A_13 = vector.multi_reduction <add>, %mul3A_11, %reduce_sum3A_12 [1] : vector<1024x256xf32> to vector<1024xf32>
    %broadcast_in_dim3A_14 = vector.shape_cast %reduce_sum3A_13 : vector<1024xf32> to vector<1024x1xf32>
    %reshape3A = vector.shape_cast %broadcast_in_dim3A_14 : vector<1024x1xf32> to vector<1x1024xf32>
    %add3A = vector.broadcast %broadcast_in_dim3A : vector<512x1xf32> to vector<512x1024xf32>
    %add3A_15 = vector.broadcast %reshape3A : vector<1x1024xf32> to vector<512x1024xf32>
    %add3A_16 = arith.addf %add3A, %add3A_15 : vector<512x1024xf32>
    %mul3A_17 = arith.constant 2.000000e+00 : f32
    %mul3A_18 = vector.broadcast %mul3A_17 : f32 to vector<512x1024xf32>
    %mul3A_19 = arith.mulf %mul3A_18, %dot_general3A_9 : vector<512x1024xf32>
    %sub3A = arith.subf %add3A_16, %mul3A_19 : vector<512x1024xf32>
    %neg3A = arith.constant 0.000000e+00 : f32
    %neg3A_20 = vector.broadcast %neg3A : f32 to vector<512x1024xf32>
    %neg3A_21 = arith.subf %neg3A_20, %sub3A : vector<512x1024xf32>
    %iota3A = tpu.iota {dimensions = array<i32: 1>} : vector<512x1024xi32>
    %convert_element_type3A = arith.sitofp %iota3A : vector<512x1024xi32> to vector<512x1024xf32>
    %add3A_22 = arith.constant 4 : i32
    %add3A_23 = arith.addi %arg0, %add3A_22 : i32
    %mul3A_24 = arith.constant 1024 : i32
    %mul3A_25 = arith.muli %add3A_23, %mul3A_24 : i32
    %iota3A_26 = tpu.iota {dimensions = array<i32: 0>} : vector<512x1xi32>
    %mul3A_27 = arith.constant 512 : i32
    %mul3A_28 = arith.muli %arg1, %mul3A_27 : i32
    %add3A_29 = vector.broadcast %mul3A_28 : i32 to vector<512x1xi32>
    %add3A_30 = arith.addi %iota3A_26, %add3A_29 : vector<512x1xi32>
    %add3A_31 = vector.broadcast %mul3A_25 : i32 to vector<512x1xi32>
    %add3A_32 = arith.addi %add3A_30, %add3A_31 : vector<512x1xi32>
    %swap3A = arith.constant 0 : index
    %swap3A_33 = arith.constant 0 : index
    %swap3A_34 = arith.constant 0 : index
    %swap3A_35 = vector.load %arg4[%swap3A, %swap3A_33, %swap3A_34] : memref<1x512x32xi32, #tpu.memory_space<vmem>>, vector<1x512x1xi32>
    %swap3A_36 = vector.shape_cast %swap3A_35 : vector<1x512x1xi32> to vector<512x1xi32>
    %swap3A_37 = vector.shape_cast %add3A_32 : vector<512x1xi32> to vector<1x512x1xi32>
    tpu.vector_store %arg4[%swap3A, %swap3A_33, %swap3A_34], %swap3A_37 {strides = array<i32>} : memref<1x512x32xi32, #tpu.memory_space<vmem>>, vector<1x512x1xi32>,
    %convert_element_type3A_38 = arith.sitofp %add3A_30 : vector<512x1xi32> to vector<512x1xf32>
    %eq3A = vector.broadcast %convert_element_type3A_38 : vector<512x1xf32> to vector<512x1024xf32>
    %eq3A_39 = arith.cmpf oeq, %convert_element_type3A, %eq3A : vector<512x1024xf32>
    %jit3A = arith.constant 0xFF800000 : f32
    %broadcast_in_dim3A_40 = vector.broadcast %jit3A : f32 to vector<512x1024xf32>
    %select_n3A = arith.select %eq3A_39, %broadcast_in_dim3A_40, %neg3A_21 : vector<512x1024xi1>, vector<512x1024xf32>
    %swap3A_41 = arith.constant 0 : index
    %swap3A_42 = arith.constant 0 : index
    %swap3A_43 = vector.load %arg5[%swap3A_41, %swap3A_42] : memref<512x1024xf32, #tpu.memory_space<vmem>>, vector<512x1024xf32>
    tpu.vector_store %arg5[%swap3A_41, %swap3A_42], %select_n3A {strides = array<i32>} : memref<512x1024xf32, #tpu.memory_space<vmem>>, vector<512x1024xf32>,
    %get3A_44 = arith.constant 0 : index
    %get3A_45 = arith.constant 0 : index
    %get3A_46 = vector.load %arg5[%get3A_44, %get3A_45] : memref<512x1024xf32, #tpu.memory_space<vmem>>, vector<512x1024xf32>
    %reduce_max3A = arith.constant dense<0xFF800000> : vector<512xf32>
    %reduce_max3A_47 = vector.multi_reduction <maximumf>, %get3A_46, %reduce_max3A [1] : vector<512x1024xf32> to vector<512xf32>
    %broadcast_in_dim3A_48 = vector.shape_cast %reduce_max3A_47 : vector<512xf32> to vector<512x1xf32>
    %eq3A_49 = vector.broadcast %broadcast_in_dim3A_48 : vector<512x1xf32> to vector<512x1024xf32>
    %eq3A_50 = arith.cmpf oeq, %get3A_46, %eq3A_49 : vector<512x1024xf32>
    %jit3A_51 = arith.constant 2.048000e+03 : f32
    %broadcast_in_dim3A_52 = vector.broadcast %jit3A_51 : f32 to vector<512x1024xf32>
    %select_n3A_53 = arith.select %eq3A_50, %convert_element_type3A, %broadcast_in_dim3A_52 : vector<512x1024xi1>, vector<512x1024xf32>
    %reduce_min3A = arith.constant dense<0x7F800000> : vector<512xf32>
    %reduce_min3A_54 = vector.multi_reduction <minimumf>, %select_n3A_53, %reduce_min3A [1] : vector<512x1024xf32> to vector<512xf32>
    %broadcast_in_dim3A_55 = vector.shape_cast %reduce_min3A_54 : vector<512xf32> to vector<512x1xf32>
    %convert_element_type3A_56 = arith.fptosi %broadcast_in_dim3A_55 : vector<512x1xf32> to vector<512x1xi32>
    %add3A_57 = vector.broadcast %mul3A_25 : i32 to vector<512x1xi32>
    %add3A_58 = arith.addi %convert_element_type3A_56, %add3A_57 : vector<512x1xi32>
    %swap3A_59 = arith.constant 0 : index
    %swap3A_60 = arith.constant 0 : index
    %swap3A_61 = arith.constant 1 : index
    %swap3A_62 = vector.load %arg4[%swap3A_59, %swap3A_60, %swap3A_61] : memref<1x512x32xi32, #tpu.memory_space<vmem>>, vector<1x512x1xi32>
    %swap3A_63 = vector.shape_cast %swap3A_62 : vector<1x512x1xi32> to vector<512x1xi32>
    %swap3A_64 = vector.shape_cast %add3A_58 : vector<512x1xi32> to vector<1x512x1xi32>
    tpu.vector_store %arg4[%swap3A_59, %swap3A_60, %swap3A_61], %swap3A_64 {strides = array<i32>} : memref<1x512x32xi32, #tpu.memory_space<vmem>>, vector<1x512x1xi32>,
    %get3A_65 = arith.constant 0 : index
    %get3A_66 = arith.constant 0 : index
    %get3A_67 = vector.load %arg5[%get3A_65, %get3A_66] : memref<512x1024xf32, #tpu.memory_space<vmem>>, vector<512x1024xf32>
    %eq3A_68 = vector.broadcast %broadcast_in_dim3A_55 : vector<512x1xf32> to vector<512x1024xf32>
    %eq3A_69 = arith.cmpf oeq, %convert_element_type3A, %eq3A_68 : vector<512x1024xf32>
    %jit3A_70 = arith.constant 0xFF800000 : f32
    %broadcast_in_dim3A_71 = vector.broadcast %jit3A_70 : f32 to vector<512x1024xf32>
    %select_n3A_72 = arith.select %eq3A_69, %broadcast_in_dim3A_71, %get3A_67 : vector<512x1024xi1>, vector<512x1024xf32>
    %swap3A_73 = arith.constant 0 : index
    %swap3A_74 = arith.constant 0 : index
    %swap3A_75 = vector.load %arg5[%swap3A_73, %swap3A_74] : memref<512x1024xf32, #tpu.memory_space<vmem>>, vector<512x1024xf32>
    tpu.vector_store %arg5[%swap3A_73, %swap3A_74], %select_n3A_72 {strides = array<i32>} : memref<512x1024xf32, #tpu.memory_space<vmem>>, vector<512x1024xf32>,
    %reduce_max3A_76 = arith.constant dense<0xFF800000> : vector<512xf32>
    %reduce_max3A_77 = vector.multi_reduction <maximumf>, %select_n3A_72, %reduce_max3A_76 [1] : vector<512x1024xf32> to vector<512xf32>
    %broadcast_in_dim3A_78 = vector.shape_cast %reduce_max3A_77 : vector<512xf32> to vector<512x1xf32>
    %eq3A_79 = vector.broadcast %broadcast_in_dim3A_78 : vector<512x1xf32> to vector<512x1024xf32>
    %eq3A_80 = arith.cmpf oeq, %select_n3A_72, %eq3A_79 : vector<512x1024xf32>
    %jit3A_81 = arith.constant 2.048000e+03 : f32
    %broadcast_in_dim3A_82 = vector.broadcast %jit3A_81 : f32 to vector<512x1024xf32>
    %select_n3A_83 = arith.select %eq3A_80, %convert_element_type3A, %broadcast_in_dim3A_82 : vector<512x1024xi1>, vector<512x1024xf32>
    %reduce_min3A_84 = arith.constant dense<0x7F800000> : vector<512xf32>
    %reduce_min3A_85 = vector.multi_reduction <minimumf>, %select_n3A_83, %reduce_min3A_84 [1] : vector<512x1024xf32> to vector<512xf32>
    %broadcast_in_dim3A_86 = vector.shape_cast %reduce_min3A_85 : vector<512xf32> to vector<512x1xf32>
    %convert_element_type3A_87 = arith.fptosi %broadcast_in_dim3A_86 : vector<512x1xf32> to vector<512x1xi32>
    %add3A_88 = vector.broadcast %mul3A_25 : i32 to vector<512x1xi32>
    %add3A_89 = arith.addi %convert_element_type3A_87, %add3A_88 : vector<512x1xi32>
    %swap3A_90 = arith.constant 0 : index
    %swap3A_91 = arith.constant 0 : index
    %swap3A_92 = arith.constant 2 : index
    %swap3A_93 = vector.load %arg4[%swap3A_90, %swap3A_91, %swap3A_92] : memref<1x512x32xi32, #tpu.memory_space<vmem>>, vector<1x512x1xi32>
    %swap3A_94 = vector.shape_cast %swap3A_93 : vector<1x512x1xi32> to vector<512x1xi32>
    %swap3A_95 = vector.shape_cast %add3A_89 : vector<512x1xi32> to vector<1x512x1xi32>
    tpu.vector_store %arg4[%swap3A_90, %swap3A_91, %swap3A_92], %swap3A_95 {strides = array<i32>} : memref<1x512x32xi32, #tpu.memory_space<vmem>>, vector<1x512x1xi32>,
    %get3A_96 = arith.constant 0 : index
    %get3A_97 = arith.constant 0 : index
    %get3A_98 = vector.load %arg5[%get3A_96, %get3A_97] : memref<512x1024xf32, #tpu.memory_space<vmem>>, vector<512x1024xf32>
    %eq3A_99 = vector.broadcast %broadcast_in_dim3A_86 : vector<512x1xf32> to vector<512x1024xf32>
    %eq3A_100 = arith.cmpf oeq, %convert_element_type3A, %eq3A_99 : vector<512x1024xf32>
    %jit3A_101 = arith.constant 0xFF800000 : f32
    %broadcast_in_dim3A_102 = vector.broadcast %jit3A_101 : f32 to vector<512x1024xf32>
    %select_n3A_103 = arith.select %eq3A_100, %broadcast_in_dim3A_102, %get3A_98 : vector<512x1024xi1>, vector<512x1024xf32>
    %swap3A_104 = arith.constant 0 : index
    %swap3A_105 = arith.constant 0 : index
    %swap3A_106 = vector.load %arg5[%swap3A_104, %swap3A_105] : memref<512x1024xf32, #tpu.memory_space<vmem>>, vector<512x1024xf32>
    tpu.vector_store %arg5[%swap3A_104, %swap3A_105], %select_n3A_103 {strides = array<i32>} : memref<512x1024xf32, #tpu.memory_space<vmem>>, vector<512x1024xf32>,
    %reduce_max3A_107 = arith.constant dense<0xFF800000> : vector<512xf32>
    %reduce_max3A_108 = vector.multi_reduction <maximumf>, %select_n3A_103, %reduce_max3A_107 [1] : vector<512x1024xf32> to vector<512xf32>
    %broadcast_in_dim3A_109 = vector.shape_cast %reduce_max3A_108 : vector<512xf32> to vector<512x1xf32>
    %eq3A_110 = vector.broadcast %broadcast_in_dim3A_109 : vector<512x1xf32> to vector<512x1024xf32>
    %eq3A_111 = arith.cmpf oeq, %select_n3A_103, %eq3A_110 : vector<512x1024xf32>
    %jit3A_112 = arith.constant 2.048000e+03 : f32
    %broadcast_in_dim3A_113 = vector.broadcast %jit3A_112 : f32 to vector<512x1024xf32>
    %select_n3A_114 = arith.select %eq3A_111, %convert_element_type3A, %broadcast_in_dim3A_113 : vector<512x1024xi1>, vector<512x1024xf32>
    %reduce_min3A_115 = arith.constant dense<0x7F800000> : vector<512xf32>
    %reduce_min3A_116 = vector.multi_reduction <minimumf>, %select_n3A_114, %reduce_min3A_115 [1] : vector<512x1024xf32> to vector<512xf32>
    %broadcast_in_dim3A_117 = vector.shape_cast %reduce_min3A_116 : vector<512xf32> to vector<512x1xf32>
    %convert_element_type3A_118 = arith.fptosi %broadcast_in_dim3A_117 : vector<512x1xf32> to vector<512x1xi32>
    %add3A_119 = vector.broadcast %mul3A_25 : i32 to vector<512x1xi32>
    %add3A_120 = arith.addi %convert_element_type3A_118, %add3A_119 : vector<512x1xi32>
    %swap3A_121 = arith.constant 0 : index
    %swap3A_122 = arith.constant 0 : index
    %swap3A_123 = arith.constant 3 : index
    %swap3A_124 = vector.load %arg4[%swap3A_121, %swap3A_122, %swap3A_123] : memref<1x512x32xi32, #tpu.memory_space<vmem>>, vector<1x512x1xi32>
    %swap3A_125 = vector.shape_cast %swap3A_124 : vector<1x512x1xi32> to vector<512x1xi32>
    %swap3A_126 = vector.shape_cast %add3A_120 : vector<512x1xi32> to vector<1x512x1xi32>
    tpu.vector_store %arg4[%swap3A_121, %swap3A_122, %swap3A_123], %swap3A_126 {strides = array<i32>} : memref<1x512x32xi32, #tpu.memory_space<vmem>>, vector<1x512x1xi32>,
    %get3A_127 = arith.constant 0 : index
    %get3A_128 = arith.constant 0 : index
    %get3A_129 = vector.load %arg5[%get3A_127, %get3A_128] : memref<512x1024xf32, #tpu.memory_space<vmem>>, vector<512x1024xf32>
    %eq3A_130 = vector.broadcast %broadcast_in_dim3A_117 : vector<512x1xf32> to vector<512x1024xf32>
    %eq3A_131 = arith.cmpf oeq, %convert_element_type3A, %eq3A_130 : vector<512x1024xf32>
    %jit3A_132 = arith.constant 0xFF800000 : f32
    %broadcast_in_dim3A_133 = vector.broadcast %jit3A_132 : f32 to vector<512x1024xf32>
    %select_n3A_134 = arith.select %eq3A_131, %broadcast_in_dim3A_133, %get3A_129 : vector<512x1024xi1>, vector<512x1024xf32>
    %swap3A_135 = arith.constant 0 : index
    %swap3A_136 = arith.constant 0 : index
    %swap3A_137 = vector.load %arg5[%swap3A_135, %swap3A_136] : memref<512x1024xf32, #tpu.memory_space<vmem>>, vector<512x1024xf32>
    tpu.vector_store %arg5[%swap3A_135, %swap3A_136], %select_n3A_134 {strides = array<i32>} : memref<512x1024xf32, #tpu.memory_space<vmem>>, vector<512x1024xf32>,
    %reduce_max3A_138 = arith.constant dense<0xFF800000> : vector<512xf32>
    %reduce_max3A_139 = vector.multi_reduction <maximumf>, %select_n3A_134, %reduce_max3A_138 [1] : vector<512x1024xf32> to vector<512xf32>
    %broadcast_in_dim3A_140 = vector.shape_cast %reduce_max3A_139 : vector<512xf32> to vector<512x1xf32>
    %eq3A_141 = vector.broadcast %broadcast_in_dim3A_140 : vector<512x1xf32> to vector<512x1024xf32>
    %eq3A_142 = arith.cmpf oeq, %select_n3A_134, %eq3A_141 : vector<512x1024xf32>
    %jit3A_143 = arith.constant 2.048000e+03 : f32
    %broadcast_in_dim3A_144 = vector.broadcast %jit3A_143 : f32 to vector<512x1024xf32>
    %select_n3A_145 = arith.select %eq3A_142, %convert_element_type3A, %broadcast_in_dim3A_144 : vector<512x1024xi1>, vector<512x1024xf32>
    %reduce_min3A_146 = arith.constant dense<0x7F800000> : vector<512xf32>
    %reduce_min3A_147 = vector.multi_reduction <minimumf>, %select_n3A_145, %reduce_min3A_146 [1] : vector<512x1024xf32> to vector<512xf32>
    %broadcast_in_dim3A_148 = vector.shape_cast %reduce_min3A_147 : vector<512xf32> to vector<512x1xf32>
    %convert_element_type3A_149 = arith.fptosi %broadcast_in_dim3A_148 : vector<512x1xf32> to vector<512x1xi32>
    %add3A_150 = vector.broadcast %mul3A_25 : i32 to vector<512x1xi32>
    %add3A_151 = arith.addi %convert_element_type3A_149, %add3A_150 : vector<512x1xi32>
    %swap3A_152 = arith.constant 0 : index
    %swap3A_153 = arith.constant 0 : index
    %swap3A_154 = arith.constant 4 : index
    %swap3A_155 = vector.load %arg4[%swap3A_152, %swap3A_153, %swap3A_154] : memref<1x512x32xi32, #tpu.memory_space<vmem>>, vector<1x512x1xi32>
    %swap3A_156 = vector.shape_cast %swap3A_155 : vector<1x512x1xi32> to vector<512x1xi32>
    %swap3A_157 = vector.shape_cast %add3A_151 : vector<512x1xi32> to vector<1x512x1xi32>
    tpu.vector_store %arg4[%swap3A_152, %swap3A_153, %swap3A_154], %swap3A_157 {strides = array<i32>} : memref<1x512x32xi32, #tpu.memory_space<vmem>>, vector<1x512x1xi32>,
    %get3A_158 = arith.constant 0 : index
    %get3A_159 = arith.constant 0 : index
    %get3A_160 = vector.load %arg5[%get3A_158, %get3A_159] : memref<512x1024xf32, #tpu.memory_space<vmem>>, vector<512x1024xf32>
    %eq3A_161 = vector.broadcast %broadcast_in_dim3A_148 : vector<512x1xf32> to vector<512x1024xf32>
    %eq3A_162 = arith.cmpf oeq, %convert_element_type3A, %eq3A_161 : vector<512x1024xf32>
    %jit3A_163 = arith.constant 0xFF800000 : f32
    %broadcast_in_dim3A_164 = vector.broadcast %jit3A_163 : f32 to vector<512x1024xf32>
    %select_n3A_165 = arith.select %eq3A_162, %broadcast_in_dim3A_164, %get3A_160 : vector<512x1024xi1>, vector<512x1024xf32>
    %swap3A_166 = arith.constant 0 : index
    %swap3A_167 = arith.constant 0 : index
    %swap3A_168 = vector.load %arg5[%swap3A_166, %swap3A_167] : memref<512x1024xf32, #tpu.memory_space<vmem>>, vector<512x1024xf32>
    tpu.vector_store %arg5[%swap3A_166, %swap3A_167], %select_n3A_165 {strides = array<i32>} : memref<512x1024xf32, #tpu.memory_space<vmem>>, vector<512x1024xf32>,
    %reduce_max3A_169 = arith.constant dense<0xFF800000> : vector<512xf32>
    %reduce_max3A_170 = vector.multi_reduction <maximumf>, %select_n3A_165, %reduce_max3A_169 [1] : vector<512x1024xf32> to vector<512xf32>
    %broadcast_in_dim3A_171 = vector.shape_cast %reduce_max3A_170 : vector<512xf32> to vector<512x1xf32>
    %eq3A_172 = vector.broadcast %broadcast_in_dim3A_171 : vector<512x1xf32> to vector<512x1024xf32>
    %eq3A_173 = arith.cmpf oeq, %select_n3A_165, %eq3A_172 : vector<512x1024xf32>
    %jit3A_174 = arith.constant 2.048000e+03 : f32
    %broadcast_in_dim3A_175 = vector.broadcast %jit3A_174 : f32 to vector<512x1024xf32>
    %select_n3A_176 = arith.select %eq3A_173, %convert_element_type3A, %broadcast_in_dim3A_175 : vector<512x1024xi1>, vector<512x1024xf32>
    %reduce_min3A_177 = arith.constant dense<0x7F800000> : vector<512xf32>
    %reduce_min3A_178 = vector.multi_reduction <minimumf>, %select_n3A_176, %reduce_min3A_177 [1] : vector<512x1024xf32> to vector<512xf32>
    %broadcast_in_dim3A_179 = vector.shape_cast %reduce_min3A_178 : vector<512xf32> to vector<512x1xf32>
    %convert_element_type3A_180 = arith.fptosi %broadcast_in_dim3A_179 : vector<512x1xf32> to vector<512x1xi32>
    %add3A_181 = vector.broadcast %mul3A_25 : i32 to vector<512x1xi32>
    %add3A_182 = arith.addi %convert_element_type3A_180, %add3A_181 : vector<512x1xi32>
    %swap3A_183 = arith.constant 0 : index
    %swap3A_184 = arith.constant 0 : index
    %swap3A_185 = arith.constant 5 : index
    %swap3A_186 = vector.load %arg4[%swap3A_183, %swap3A_184, %swap3A_185] : memref<1x512x32xi32, #tpu.memory_space<vmem>>, vector<1x512x1xi32>
    %swap3A_187 = vector.shape_cast %swap3A_186 : vector<1x512x1xi32> to vector<512x1xi32>
    %swap3A_188 = vector.shape_cast %add3A_182 : vector<512x1xi32> to vector<1x512x1xi32>
    tpu.vector_store %arg4[%swap3A_183, %swap3A_184, %swap3A_185], %swap3A_188 {strides = array<i32>} : memref<1x512x32xi32, #tpu.memory_space<vmem>>, vector<1x512x1xi32>,
    %get3A_189 = arith.constant 0 : index
    %get3A_190 = arith.constant 0 : index
    %get3A_191 = vector.load %arg5[%get3A_189, %get3A_190] : memref<512x1024xf32, #tpu.memory_space<vmem>>, vector<512x1024xf32>
    %eq3A_192 = vector.broadcast %broadcast_in_dim3A_179 : vector<512x1xf32> to vector<512x1024xf32>
    %eq3A_193 = arith.cmpf oeq, %convert_element_type3A, %eq3A_192 : vector<512x1024xf32>
    %jit3A_194 = arith.constant 0xFF800000 : f32
    %broadcast_in_dim3A_195 = vector.broadcast %jit3A_194 : f32 to vector<512x1024xf32>
    %select_n3A_196 = arith.select %eq3A_193, %broadcast_in_dim3A_195, %get3A_191 : vector<512x1024xi1>, vector<512x1024xf32>
    %swap3A_197 = arith.constant 0 : index
    %swap3A_198 = arith.constant 0 : index
    %swap3A_199 = vector.load %arg5[%swap3A_197, %swap3A_198] : memref<512x1024xf32, #tpu.memory_space<vmem>>, vector<512x1024xf32>
    tpu.vector_store %arg5[%swap3A_197, %swap3A_198], %select_n3A_196 {strides = array<i32>} : memref<512x1024xf32, #tpu.memory_space<vmem>>, vector<512x1024xf32>,
    %reduce_max3A_200 = arith.constant dense<0xFF800000> : vector<512xf32>
    %reduce_max3A_201 = vector.multi_reduction <maximumf>, %select_n3A_196, %reduce_max3A_200 [1] : vector<512x1024xf32> to vector<512xf32>
    %broadcast_in_dim3A_202 = vector.shape_cast %reduce_max3A_201 : vector<512xf32> to vector<512x1xf32>
    %eq3A_203 = vector.broadcast %broadcast_in_dim3A_202 : vector<512x1xf32> to vector<512x1024xf32>
    %eq3A_204 = arith.cmpf oeq, %select_n3A_196, %eq3A_203 : vector<512x1024xf32>
    %jit3A_205 = arith.constant 2.048000e+03 : f32
    %broadcast_in_dim3A_206 = vector.broadcast %jit3A_205 : f32 to vector<512x1024xf32>
    %select_n3A_207 = arith.select %eq3A_204, %convert_element_type3A, %broadcast_in_dim3A_206 : vector<512x1024xi1>, vector<512x1024xf32>
    %reduce_min3A_208 = arith.constant dense<0x7F800000> : vector<512xf32>
    %reduce_min3A_209 = vector.multi_reduction <minimumf>, %select_n3A_207, %reduce_min3A_208 [1] : vector<512x1024xf32> to vector<512xf32>
    %broadcast_in_dim3A_210 = vector.shape_cast %reduce_min3A_209 : vector<512xf32> to vector<512x1xf32>
    %convert_element_type3A_211 = arith.fptosi %broadcast_in_dim3A_210 : vector<512x1xf32> to vector<512x1xi32>
    %add3A_212 = vector.broadcast %mul3A_25 : i32 to vector<512x1xi32>
    %add3A_213 = arith.addi %convert_element_type3A_211, %add3A_212 : vector<512x1xi32>
    %swap3A_214 = arith.constant 0 : index
    %swap3A_215 = arith.constant 0 : index
    %swap3A_216 = arith.constant 6 : index
    %swap3A_217 = vector.load %arg4[%swap3A_214, %swap3A_215, %swap3A_216] : memref<1x512x32xi32, #tpu.memory_space<vmem>>, vector<1x512x1xi32>
    %swap3A_218 = vector.shape_cast %swap3A_217 : vector<1x512x1xi32> to vector<512x1xi32>
    %swap3A_219 = vector.shape_cast %add3A_213 : vector<512x1xi32> to vector<1x512x1xi32>
    tpu.vector_store %arg4[%swap3A_214, %swap3A_215, %swap3A_216], %swap3A_219 {strides = array<i32>} : memref<1x512x32xi32, #tpu.memory_space<vmem>>, vector<1x512x1xi32>,
    %get3A_220 = arith.constant 0 : index
    %get3A_221 = arith.constant 0 : index
    %get3A_222 = vector.load %arg5[%get3A_220, %get3A_221] : memref<512x1024xf32, #tpu.memory_space<vmem>>, vector<512x1024xf32>
    %eq3A_223 = vector.broadcast %broadcast_in_dim3A_210 : vector<512x1xf32> to vector<512x1024xf32>
    %eq3A_224 = arith.cmpf oeq, %convert_element_type3A, %eq3A_223 : vector<512x1024xf32>
    %jit3A_225 = arith.constant 0xFF800000 : f32
    %broadcast_in_dim3A_226 = vector.broadcast %jit3A_225 : f32 to vector<512x1024xf32>
    %select_n3A_227 = arith.select %eq3A_224, %broadcast_in_dim3A_226, %get3A_222 : vector<512x1024xi1>, vector<512x1024xf32>
    %swap3A_228 = arith.constant 0 : index
    %swap3A_229 = arith.constant 0 : index
    %swap3A_230 = vector.load %arg5[%swap3A_228, %swap3A_229] : memref<512x1024xf32, #tpu.memory_space<vmem>>, vector<512x1024xf32>
    tpu.vector_store %arg5[%swap3A_228, %swap3A_229], %select_n3A_227 {strides = array<i32>} : memref<512x1024xf32, #tpu.memory_space<vmem>>, vector<512x1024xf32>,
    %reduce_max3A_231 = arith.constant dense<0xFF800000> : vector<512xf32>
    %reduce_max3A_232 = vector.multi_reduction <maximumf>, %select_n3A_227, %reduce_max3A_231 [1] : vector<512x1024xf32> to vector<512xf32>
    %broadcast_in_dim3A_233 = vector.shape_cast %reduce_max3A_232 : vector<512xf32> to vector<512x1xf32>
    %eq3A_234 = vector.broadcast %broadcast_in_dim3A_233 : vector<512x1xf32> to vector<512x1024xf32>
    %eq3A_235 = arith.cmpf oeq, %select_n3A_227, %eq3A_234 : vector<512x1024xf32>
    %jit3A_236 = arith.constant 2.048000e+03 : f32
    %broadcast_in_dim3A_237 = vector.broadcast %jit3A_236 : f32 to vector<512x1024xf32>
    %select_n3A_238 = arith.select %eq3A_235, %convert_element_type3A, %broadcast_in_dim3A_237 : vector<512x1024xi1>, vector<512x1024xf32>
    %reduce_min3A_239 = arith.constant dense<0x7F800000> : vector<512xf32>
    %reduce_min3A_240 = vector.multi_reduction <minimumf>, %select_n3A_238, %reduce_min3A_239 [1] : vector<512x1024xf32> to vector<512xf32>
    %broadcast_in_dim3A_241 = vector.shape_cast %reduce_min3A_240 : vector<512xf32> to vector<512x1xf32>
    %convert_element_type3A_242 = arith.fptosi %broadcast_in_dim3A_241 : vector<512x1xf32> to vector<512x1xi32>
    %add3A_243 = vector.broadcast %mul3A_25 : i32 to vector<512x1xi32>
    %add3A_244 = arith.addi %convert_element_type3A_242, %add3A_243 : vector<512x1xi32>
    %swap3A_245 = arith.constant 0 : index
    %swap3A_246 = arith.constant 0 : index
    %swap3A_247 = arith.constant 7 : index
    %swap3A_248 = vector.load %arg4[%swap3A_245, %swap3A_246, %swap3A_247] : memref<1x512x32xi32, #tpu.memory_space<vmem>>, vector<1x512x1xi32>
    %swap3A_249 = vector.shape_cast %swap3A_248 : vector<1x512x1xi32> to vector<512x1xi32>
    %swap3A_250 = vector.shape_cast %add3A_244 : vector<512x1xi32> to vector<1x512x1xi32>
    tpu.vector_store %arg4[%swap3A_245, %swap3A_246, %swap3A_247], %swap3A_250 {strides = array<i32>} : memref<1x512x32xi32, #tpu.memory_space<vmem>>, vector<1x512x1xi32>,
    %get3A_251 = arith.constant 0 : index
    %get3A_252 = arith.constant 0 : index
    %get3A_253 = vector.load %arg5[%get3A_251, %get3A_252] : memref<512x1024xf32, #tpu.memory_space<vmem>>, vector<512x1024xf32>
    %eq3A_254 = vector.broadcast %broadcast_in_dim3A_241 : vector<512x1xf32> to vector<512x1024xf32>
    %eq3A_255 = arith.cmpf oeq, %convert_element_type3A, %eq3A_254 : vector<512x1024xf32>
    %jit3A_256 = arith.constant 0xFF800000 : f32
    %broadcast_in_dim3A_257 = vector.broadcast %jit3A_256 : f32 to vector<512x1024xf32>
    %select_n3A_258 = arith.select %eq3A_255, %broadcast_in_dim3A_257, %get3A_253 : vector<512x1024xi1>, vector<512x1024xf32>
    %swap3A_259 = arith.constant 0 : index
    %swap3A_260 = arith.constant 0 : index
    %swap3A_261 = vector.load %arg5[%swap3A_259, %swap3A_260] : memref<512x1024xf32, #tpu.memory_space<vmem>>, vector<512x1024xf32>
    tpu.vector_store %arg5[%swap3A_259, %swap3A_260], %select_n3A_258 {strides = array<i32>} : memref<512x1024xf32, #tpu.memory_space<vmem>>, vector<512x1024xf32>,
    %reduce_max3A_262 = arith.constant dense<0xFF800000> : vector<512xf32>
    %reduce_max3A_263 = vector.multi_reduction <maximumf>, %select_n3A_258, %reduce_max3A_262 [1] : vector<512x1024xf32> to vector<512xf32>
    %broadcast_in_dim3A_264 = vector.shape_cast %reduce_max3A_263 : vector<512xf32> to vector<512x1xf32>
    %eq3A_265 = vector.broadcast %broadcast_in_dim3A_264 : vector<512x1xf32> to vector<512x1024xf32>
    %eq3A_266 = arith.cmpf oeq, %select_n3A_258, %eq3A_265 : vector<512x1024xf32>
    %jit3A_267 = arith.constant 2.048000e+03 : f32
    %broadcast_in_dim3A_268 = vector.broadcast %jit3A_267 : f32 to vector<512x1024xf32>
    %select_n3A_269 = arith.select %eq3A_266, %convert_element_type3A, %broadcast_in_dim3A_268 : vector<512x1024xi1>, vector<512x1024xf32>
    %reduce_min3A_270 = arith.constant dense<0x7F800000> : vector<512xf32>
    %reduce_min3A_271 = vector.multi_reduction <minimumf>, %select_n3A_269, %reduce_min3A_270 [1] : vector<512x1024xf32> to vector<512xf32>
    %broadcast_in_dim3A_272 = vector.shape_cast %reduce_min3A_271 : vector<512xf32> to vector<512x1xf32>
    %convert_element_type3A_273 = arith.fptosi %broadcast_in_dim3A_272 : vector<512x1xf32> to vector<512x1xi32>
    %add3A_274 = vector.broadcast %mul3A_25 : i32 to vector<512x1xi32>
    %add3A_275 = arith.addi %convert_element_type3A_273, %add3A_274 : vector<512x1xi32>
    %swap3A_276 = arith.constant 0 : index
    %swap3A_277 = arith.constant 0 : index
    %swap3A_278 = arith.constant 8 : index
    %swap3A_279 = vector.load %arg4[%swap3A_276, %swap3A_277, %swap3A_278] : memref<1x512x32xi32, #tpu.memory_space<vmem>>, vector<1x512x1xi32>
    %swap3A_280 = vector.shape_cast %swap3A_279 : vector<1x512x1xi32> to vector<512x1xi32>
    %swap3A_281 = vector.shape_cast %add3A_275 : vector<512x1xi32> to vector<1x512x1xi32>
    tpu.vector_store %arg4[%swap3A_276, %swap3A_277, %swap3A_278], %swap3A_281 {strides = array<i32>} : memref<1x512x32xi32, #tpu.memory_space<vmem>>, vector<1x512x1xi32>,
    %get3A_282 = arith.constant 0 : index
    %get3A_283 = arith.constant 0 : index
    %get3A_284 = vector.load %arg5[%get3A_282, %get3A_283] : memref<512x1024xf32, #tpu.memory_space<vmem>>, vector<512x1024xf32>
    %eq3A_285 = vector.broadcast %broadcast_in_dim3A_272 : vector<512x1xf32> to vector<512x1024xf32>
    %eq3A_286 = arith.cmpf oeq, %convert_element_type3A, %eq3A_285 : vector<512x1024xf32>
    %jit3A_287 = arith.constant 0xFF800000 : f32
    %broadcast_in_dim3A_288 = vector.broadcast %jit3A_287 : f32 to vector<512x1024xf32>
    %select_n3A_289 = arith.select %eq3A_286, %broadcast_in_dim3A_288, %get3A_284 : vector<512x1024xi1>, vector<512x1024xf32>
    %swap3A_290 = arith.constant 0 : index
    %swap3A_291 = arith.constant 0 : index
    %swap3A_292 = vector.load %arg5[%swap3A_290, %swap3A_291] : memref<512x1024xf32, #tpu.memory_space<vmem>>, vector<512x1024xf32>
    tpu.vector_store %arg5[%swap3A_290, %swap3A_291], %select_n3A_289 {strides = array<i32>} : memref<512x1024xf32, #tpu.memory_space<vmem>>, vector<512x1024xf32>,
    %reduce_max3A_293 = arith.constant dense<0xFF800000> : vector<512xf32>
    %reduce_max3A_294 = vector.multi_reduction <maximumf>, %select_n3A_289, %reduce_max3A_293 [1] : vector<512x1024xf32> to vector<512xf32>
    %broadcast_in_dim3A_295 = vector.shape_cast %reduce_max3A_294 : vector<512xf32> to vector<512x1xf32>
    %eq3A_296 = vector.broadcast %broadcast_in_dim3A_295 : vector<512x1xf32> to vector<512x1024xf32>
    %eq3A_297 = arith.cmpf oeq, %select_n3A_289, %eq3A_296 : vector<512x1024xf32>
    %jit3A_298 = arith.constant 2.048000e+03 : f32
    %broadcast_in_dim3A_299 = vector.broadcast %jit3A_298 : f32 to vector<512x1024xf32>
    %select_n3A_300 = arith.select %eq3A_297, %convert_element_type3A, %broadcast_in_dim3A_299 : vector<512x1024xi1>, vector<512x1024xf32>
    %reduce_min3A_301 = arith.constant dense<0x7F800000> : vector<512xf32>
    %reduce_min3A_302 = vector.multi_reduction <minimumf>, %select_n3A_300, %reduce_min3A_301 [1] : vector<512x1024xf32> to vector<512xf32>
    %broadcast_in_dim3A_303 = vector.shape_cast %reduce_min3A_302 : vector<512xf32> to vector<512x1xf32>
    %convert_element_type3A_304 = arith.fptosi %broadcast_in_dim3A_303 : vector<512x1xf32> to vector<512x1xi32>
    %add3A_305 = vector.broadcast %mul3A_25 : i32 to vector<512x1xi32>
    %add3A_306 = arith.addi %convert_element_type3A_304, %add3A_305 : vector<512x1xi32>
    %swap3A_307 = arith.constant 0 : index
    %swap3A_308 = arith.constant 0 : index
    %swap3A_309 = arith.constant 9 : index
    %swap3A_310 = vector.load %arg4[%swap3A_307, %swap3A_308, %swap3A_309] : memref<1x512x32xi32, #tpu.memory_space<vmem>>, vector<1x512x1xi32>
    %swap3A_311 = vector.shape_cast %swap3A_310 : vector<1x512x1xi32> to vector<512x1xi32>
    %swap3A_312 = vector.shape_cast %add3A_306 : vector<512x1xi32> to vector<1x512x1xi32>
    tpu.vector_store %arg4[%swap3A_307, %swap3A_308, %swap3A_309], %swap3A_312 {strides = array<i32>} : memref<1x512x32xi32, #tpu.memory_space<vmem>>, vector<1x512x1xi32>,
    %get3A_313 = arith.constant 0 : index
    %get3A_314 = arith.constant 0 : index
    %get3A_315 = vector.load %arg5[%get3A_313, %get3A_314] : memref<512x1024xf32, #tpu.memory_space<vmem>>, vector<512x1024xf32>
    %eq3A_316 = vector.broadcast %broadcast_in_dim3A_303 : vector<512x1xf32> to vector<512x1024xf32>
    %eq3A_317 = arith.cmpf oeq, %convert_element_type3A, %eq3A_316 : vector<512x1024xf32>
    %jit3A_318 = arith.constant 0xFF800000 : f32
    %broadcast_in_dim3A_319 = vector.broadcast %jit3A_318 : f32 to vector<512x1024xf32>
    %select_n3A_320 = arith.select %eq3A_317, %broadcast_in_dim3A_319, %get3A_315 : vector<512x1024xi1>, vector<512x1024xf32>
    %swap3A_321 = arith.constant 0 : index
    %swap3A_322 = arith.constant 0 : index
    %swap3A_323 = vector.load %arg5[%swap3A_321, %swap3A_322] : memref<512x1024xf32, #tpu.memory_space<vmem>>, vector<512x1024xf32>
    tpu.vector_store %arg5[%swap3A_321, %swap3A_322], %select_n3A_320 {strides = array<i32>} : memref<512x1024xf32, #tpu.memory_space<vmem>>, vector<512x1024xf32>,
    %reduce_max3A_324 = arith.constant dense<0xFF800000> : vector<512xf32>
    %reduce_max3A_325 = vector.multi_reduction <maximumf>, %select_n3A_320, %reduce_max3A_324 [1] : vector<512x1024xf32> to vector<512xf32>
    %broadcast_in_dim3A_326 = vector.shape_cast %reduce_max3A_325 : vector<512xf32> to vector<512x1xf32>
    %eq3A_327 = vector.broadcast %broadcast_in_dim3A_326 : vector<512x1xf32> to vector<512x1024xf32>
    %eq3A_328 = arith.cmpf oeq, %select_n3A_320, %eq3A_327 : vector<512x1024xf32>
    %jit3A_329 = arith.constant 2.048000e+03 : f32
    %broadcast_in_dim3A_330 = vector.broadcast %jit3A_329 : f32 to vector<512x1024xf32>
    %select_n3A_331 = arith.select %eq3A_328, %convert_element_type3A, %broadcast_in_dim3A_330 : vector<512x1024xi1>, vector<512x1024xf32>
    %reduce_min3A_332 = arith.constant dense<0x7F800000> : vector<512xf32>
    %reduce_min3A_333 = vector.multi_reduction <minimumf>, %select_n3A_331, %reduce_min3A_332 [1] : vector<512x1024xf32> to vector<512xf32>
    %broadcast_in_dim3A_334 = vector.shape_cast %reduce_min3A_333 : vector<512xf32> to vector<512x1xf32>
    %convert_element_type3A_335 = arith.fptosi %broadcast_in_dim3A_334 : vector<512x1xf32> to vector<512x1xi32>
    %add3A_336 = vector.broadcast %mul3A_25 : i32 to vector<512x1xi32>
    %add3A_337 = arith.addi %convert_element_type3A_335, %add3A_336 : vector<512x1xi32>
    %swap3A_338 = arith.constant 0 : index
    %swap3A_339 = arith.constant 0 : index
    %swap3A_340 = arith.constant 10 : index
    %swap3A_341 = vector.load %arg4[%swap3A_338, %swap3A_339, %swap3A_340] : memref<1x512x32xi32, #tpu.memory_space<vmem>>, vector<1x512x1xi32>
    %swap3A_342 = vector.shape_cast %swap3A_341 : vector<1x512x1xi32> to vector<512x1xi32>
    %swap3A_343 = vector.shape_cast %add3A_337 : vector<512x1xi32> to vector<1x512x1xi32>
    tpu.vector_store %arg4[%swap3A_338, %swap3A_339, %swap3A_340], %swap3A_343 {strides = array<i32>} : memref<1x512x32xi32, #tpu.memory_space<vmem>>, vector<1x512x1xi32>,
    %get3A_344 = arith.constant 0 : index
    %get3A_345 = arith.constant 0 : index
    %get3A_346 = vector.load %arg5[%get3A_344, %get3A_345] : memref<512x1024xf32, #tpu.memory_space<vmem>>, vector<512x1024xf32>
    %eq3A_347 = vector.broadcast %broadcast_in_dim3A_334 : vector<512x1xf32> to vector<512x1024xf32>
    %eq3A_348 = arith.cmpf oeq, %convert_element_type3A, %eq3A_347 : vector<512x1024xf32>
    %jit3A_349 = arith.constant 0xFF800000 : f32
    %broadcast_in_dim3A_350 = vector.broadcast %jit3A_349 : f32 to vector<512x1024xf32>
    %select_n3A_351 = arith.select %eq3A_348, %broadcast_in_dim3A_350, %get3A_346 : vector<512x1024xi1>, vector<512x1024xf32>
    %swap3A_352 = arith.constant 0 : index
    %swap3A_353 = arith.constant 0 : index
    %swap3A_354 = vector.load %arg5[%swap3A_352, %swap3A_353] : memref<512x1024xf32, #tpu.memory_space<vmem>>, vector<512x1024xf32>
    tpu.vector_store %arg5[%swap3A_352, %swap3A_353], %select_n3A_351 {strides = array<i32>} : memref<512x1024xf32, #tpu.memory_space<vmem>>, vector<512x1024xf32>,
    %reduce_max3A_355 = arith.constant dense<0xFF800000> : vector<512xf32>
    %reduce_max3A_356 = vector.multi_reduction <maximumf>, %select_n3A_351, %reduce_max3A_355 [1] : vector<512x1024xf32> to vector<512xf32>
    %broadcast_in_dim3A_357 = vector.shape_cast %reduce_max3A_356 : vector<512xf32> to vector<512x1xf32>
    %eq3A_358 = vector.broadcast %broadcast_in_dim3A_357 : vector<512x1xf32> to vector<512x1024xf32>
    %eq3A_359 = arith.cmpf oeq, %select_n3A_351, %eq3A_358 : vector<512x1024xf32>
    %jit3A_360 = arith.constant 2.048000e+03 : f32
    %broadcast_in_dim3A_361 = vector.broadcast %jit3A_360 : f32 to vector<512x1024xf32>
    %select_n3A_362 = arith.select %eq3A_359, %convert_element_type3A, %broadcast_in_dim3A_361 : vector<512x1024xi1>, vector<512x1024xf32>
    %reduce_min3A_363 = arith.constant dense<0x7F800000> : vector<512xf32>
    %reduce_min3A_364 = vector.multi_reduction <minimumf>, %select_n3A_362, %reduce_min3A_363 [1] : vector<512x1024xf32> to vector<512xf32>
    %broadcast_in_dim3A_365 = vector.shape_cast %reduce_min3A_364 : vector<512xf32> to vector<512x1xf32>
    %convert_element_type3A_366 = arith.fptosi %broadcast_in_dim3A_365 : vector<512x1xf32> to vector<512x1xi32>
    %add3A_367 = vector.broadcast %mul3A_25 : i32 to vector<512x1xi32>
    %add3A_368 = arith.addi %convert_element_type3A_366, %add3A_367 : vector<512x1xi32>
    %swap3A_369 = arith.constant 0 : index
    %swap3A_370 = arith.constant 0 : index
    %swap3A_371 = arith.constant 11 : index
    %swap3A_372 = vector.load %arg4[%swap3A_369, %swap3A_370, %swap3A_371] : memref<1x512x32xi32, #tpu.memory_space<vmem>>, vector<1x512x1xi32>
    %swap3A_373 = vector.shape_cast %swap3A_372 : vector<1x512x1xi32> to vector<512x1xi32>
    %swap3A_374 = vector.shape_cast %add3A_368 : vector<512x1xi32> to vector<1x512x1xi32>
    tpu.vector_store %arg4[%swap3A_369, %swap3A_370, %swap3A_371], %swap3A_374 {strides = array<i32>} : memref<1x512x32xi32, #tpu.memory_space<vmem>>, vector<1x512x1xi32>,
    %get3A_375 = arith.constant 0 : index
    %get3A_376 = arith.constant 0 : index
    %get3A_377 = vector.load %arg5[%get3A_375, %get3A_376] : memref<512x1024xf32, #tpu.memory_space<vmem>>, vector<512x1024xf32>
    %eq3A_378 = vector.broadcast %broadcast_in_dim3A_365 : vector<512x1xf32> to vector<512x1024xf32>
    %eq3A_379 = arith.cmpf oeq, %convert_element_type3A, %eq3A_378 : vector<512x1024xf32>
    %jit3A_380 = arith.constant 0xFF800000 : f32
    %broadcast_in_dim3A_381 = vector.broadcast %jit3A_380 : f32 to vector<512x1024xf32>
    %select_n3A_382 = arith.select %eq3A_379, %broadcast_in_dim3A_381, %get3A_377 : vector<512x1024xi1>, vector<512x1024xf32>
    %swap3A_383 = arith.constant 0 : index
    %swap3A_384 = arith.constant 0 : index
    %swap3A_385 = vector.load %arg5[%swap3A_383, %swap3A_384] : memref<512x1024xf32, #tpu.memory_space<vmem>>, vector<512x1024xf32>
    tpu.vector_store %arg5[%swap3A_383, %swap3A_384], %select_n3A_382 {strides = array<i32>} : memref<512x1024xf32, #tpu.memory_space<vmem>>, vector<512x1024xf32>,
    %reduce_max3A_386 = arith.constant dense<0xFF800000> : vector<512xf32>
    %reduce_max3A_387 = vector.multi_reduction <maximumf>, %select_n3A_382, %reduce_max3A_386 [1] : vector<512x1024xf32> to vector<512xf32>
    %broadcast_in_dim3A_388 = vector.shape_cast %reduce_max3A_387 : vector<512xf32> to vector<512x1xf32>
    %eq3A_389 = vector.broadcast %broadcast_in_dim3A_388 : vector<512x1xf32> to vector<512x1024xf32>
    %eq3A_390 = arith.cmpf oeq, %select_n3A_382, %eq3A_389 : vector<512x1024xf32>
    %jit3A_391 = arith.constant 2.048000e+03 : f32
    %broadcast_in_dim3A_392 = vector.broadcast %jit3A_391 : f32 to vector<512x1024xf32>
    %select_n3A_393 = arith.select %eq3A_390, %convert_element_type3A, %broadcast_in_dim3A_392 : vector<512x1024xi1>, vector<512x1024xf32>
    %reduce_min3A_394 = arith.constant dense<0x7F800000> : vector<512xf32>
    %reduce_min3A_395 = vector.multi_reduction <minimumf>, %select_n3A_393, %reduce_min3A_394 [1] : vector<512x1024xf32> to vector<512xf32>
    %broadcast_in_dim3A_396 = vector.shape_cast %reduce_min3A_395 : vector<512xf32> to vector<512x1xf32>
    %convert_element_type3A_397 = arith.fptosi %broadcast_in_dim3A_396 : vector<512x1xf32> to vector<512x1xi32>
    %add3A_398 = vector.broadcast %mul3A_25 : i32 to vector<512x1xi32>
    %add3A_399 = arith.addi %convert_element_type3A_397, %add3A_398 : vector<512x1xi32>
    %swap3A_400 = arith.constant 0 : index
    %swap3A_401 = arith.constant 0 : index
    %swap3A_402 = arith.constant 12 : index
    %swap3A_403 = vector.load %arg4[%swap3A_400, %swap3A_401, %swap3A_402] : memref<1x512x32xi32, #tpu.memory_space<vmem>>, vector<1x512x1xi32>
    %swap3A_404 = vector.shape_cast %swap3A_403 : vector<1x512x1xi32> to vector<512x1xi32>
    %swap3A_405 = vector.shape_cast %add3A_399 : vector<512x1xi32> to vector<1x512x1xi32>
    tpu.vector_store %arg4[%swap3A_400, %swap3A_401, %swap3A_402], %swap3A_405 {strides = array<i32>} : memref<1x512x32xi32, #tpu.memory_space<vmem>>, vector<1x512x1xi32>,
    %get3A_406 = arith.constant 0 : index
    %get3A_407 = arith.constant 0 : index
    %get3A_408 = vector.load %arg5[%get3A_406, %get3A_407] : memref<512x1024xf32, #tpu.memory_space<vmem>>, vector<512x1024xf32>
    %eq3A_409 = vector.broadcast %broadcast_in_dim3A_396 : vector<512x1xf32> to vector<512x1024xf32>
    %eq3A_410 = arith.cmpf oeq, %convert_element_type3A, %eq3A_409 : vector<512x1024xf32>
    %jit3A_411 = arith.constant 0xFF800000 : f32
    %broadcast_in_dim3A_412 = vector.broadcast %jit3A_411 : f32 to vector<512x1024xf32>
    %select_n3A_413 = arith.select %eq3A_410, %broadcast_in_dim3A_412, %get3A_408 : vector<512x1024xi1>, vector<512x1024xf32>
    %swap3A_414 = arith.constant 0 : index
    %swap3A_415 = arith.constant 0 : index
    %swap3A_416 = vector.load %arg5[%swap3A_414, %swap3A_415] : memref<512x1024xf32, #tpu.memory_space<vmem>>, vector<512x1024xf32>
    tpu.vector_store %arg5[%swap3A_414, %swap3A_415], %select_n3A_413 {strides = array<i32>} : memref<512x1024xf32, #tpu.memory_space<vmem>>, vector<512x1024xf32>,
    %reduce_max3A_417 = arith.constant dense<0xFF800000> : vector<512xf32>
    %reduce_max3A_418 = vector.multi_reduction <maximumf>, %select_n3A_413, %reduce_max3A_417 [1] : vector<512x1024xf32> to vector<512xf32>
    %broadcast_in_dim3A_419 = vector.shape_cast %reduce_max3A_418 : vector<512xf32> to vector<512x1xf32>
    %eq3A_420 = vector.broadcast %broadcast_in_dim3A_419 : vector<512x1xf32> to vector<512x1024xf32>
    %eq3A_421 = arith.cmpf oeq, %select_n3A_413, %eq3A_420 : vector<512x1024xf32>
    %jit3A_422 = arith.constant 2.048000e+03 : f32
    %broadcast_in_dim3A_423 = vector.broadcast %jit3A_422 : f32 to vector<512x1024xf32>
    %select_n3A_424 = arith.select %eq3A_421, %convert_element_type3A, %broadcast_in_dim3A_423 : vector<512x1024xi1>, vector<512x1024xf32>
    %reduce_min3A_425 = arith.constant dense<0x7F800000> : vector<512xf32>
    %reduce_min3A_426 = vector.multi_reduction <minimumf>, %select_n3A_424, %reduce_min3A_425 [1] : vector<512x1024xf32> to vector<512xf32>
    %broadcast_in_dim3A_427 = vector.shape_cast %reduce_min3A_426 : vector<512xf32> to vector<512x1xf32>
    %convert_element_type3A_428 = arith.fptosi %broadcast_in_dim3A_427 : vector<512x1xf32> to vector<512x1xi32>
    %add3A_429 = vector.broadcast %mul3A_25 : i32 to vector<512x1xi32>
    %add3A_430 = arith.addi %convert_element_type3A_428, %add3A_429 : vector<512x1xi32>
    %swap3A_431 = arith.constant 0 : index
    %swap3A_432 = arith.constant 0 : index
    %swap3A_433 = arith.constant 13 : index
    %swap3A_434 = vector.load %arg4[%swap3A_431, %swap3A_432, %swap3A_433] : memref<1x512x32xi32, #tpu.memory_space<vmem>>, vector<1x512x1xi32>
    %swap3A_435 = vector.shape_cast %swap3A_434 : vector<1x512x1xi32> to vector<512x1xi32>
    %swap3A_436 = vector.shape_cast %add3A_430 : vector<512x1xi32> to vector<1x512x1xi32>
    tpu.vector_store %arg4[%swap3A_431, %swap3A_432, %swap3A_433], %swap3A_436 {strides = array<i32>} : memref<1x512x32xi32, #tpu.memory_space<vmem>>, vector<1x512x1xi32>,
    %get3A_437 = arith.constant 0 : index
    %get3A_438 = arith.constant 0 : index
    %get3A_439 = vector.load %arg5[%get3A_437, %get3A_438] : memref<512x1024xf32, #tpu.memory_space<vmem>>, vector<512x1024xf32>
    %eq3A_440 = vector.broadcast %broadcast_in_dim3A_427 : vector<512x1xf32> to vector<512x1024xf32>
    %eq3A_441 = arith.cmpf oeq, %convert_element_type3A, %eq3A_440 : vector<512x1024xf32>
    %jit3A_442 = arith.constant 0xFF800000 : f32
    %broadcast_in_dim3A_443 = vector.broadcast %jit3A_442 : f32 to vector<512x1024xf32>
    %select_n3A_444 = arith.select %eq3A_441, %broadcast_in_dim3A_443, %get3A_439 : vector<512x1024xi1>, vector<512x1024xf32>
    %swap3A_445 = arith.constant 0 : index
    %swap3A_446 = arith.constant 0 : index
    %swap3A_447 = vector.load %arg5[%swap3A_445, %swap3A_446] : memref<512x1024xf32, #tpu.memory_space<vmem>>, vector<512x1024xf32>
    tpu.vector_store %arg5[%swap3A_445, %swap3A_446], %select_n3A_444 {strides = array<i32>} : memref<512x1024xf32, #tpu.memory_space<vmem>>, vector<512x1024xf32>,
    %reduce_max3A_448 = arith.constant dense<0xFF800000> : vector<512xf32>
    %reduce_max3A_449 = vector.multi_reduction <maximumf>, %select_n3A_444, %reduce_max3A_448 [1] : vector<512x1024xf32> to vector<512xf32>
    %broadcast_in_dim3A_450 = vector.shape_cast %reduce_max3A_449 : vector<512xf32> to vector<512x1xf32>
    %eq3A_451 = vector.broadcast %broadcast_in_dim3A_450 : vector<512x1xf32> to vector<512x1024xf32>
    %eq3A_452 = arith.cmpf oeq, %select_n3A_444, %eq3A_451 : vector<512x1024xf32>
    %jit3A_453 = arith.constant 2.048000e+03 : f32
    %broadcast_in_dim3A_454 = vector.broadcast %jit3A_453 : f32 to vector<512x1024xf32>
    %select_n3A_455 = arith.select %eq3A_452, %convert_element_type3A, %broadcast_in_dim3A_454 : vector<512x1024xi1>, vector<512x1024xf32>
    %reduce_min3A_456 = arith.constant dense<0x7F800000> : vector<512xf32>
    %reduce_min3A_457 = vector.multi_reduction <minimumf>, %select_n3A_455, %reduce_min3A_456 [1] : vector<512x1024xf32> to vector<512xf32>
    %broadcast_in_dim3A_458 = vector.shape_cast %reduce_min3A_457 : vector<512xf32> to vector<512x1xf32>
    %convert_element_type3A_459 = arith.fptosi %broadcast_in_dim3A_458 : vector<512x1xf32> to vector<512x1xi32>
    %add3A_460 = vector.broadcast %mul3A_25 : i32 to vector<512x1xi32>
    %add3A_461 = arith.addi %convert_element_type3A_459, %add3A_460 : vector<512x1xi32>
    %swap3A_462 = arith.constant 0 : index
    %swap3A_463 = arith.constant 0 : index
    %swap3A_464 = arith.constant 14 : index
    %swap3A_465 = vector.load %arg4[%swap3A_462, %swap3A_463, %swap3A_464] : memref<1x512x32xi32, #tpu.memory_space<vmem>>, vector<1x512x1xi32>
    %swap3A_466 = vector.shape_cast %swap3A_465 : vector<1x512x1xi32> to vector<512x1xi32>
    %swap3A_467 = vector.shape_cast %add3A_461 : vector<512x1xi32> to vector<1x512x1xi32>
    tpu.vector_store %arg4[%swap3A_462, %swap3A_463, %swap3A_464], %swap3A_467 {strides = array<i32>} : memref<1x512x32xi32, #tpu.memory_space<vmem>>, vector<1x512x1xi32>,
    %get3A_468 = arith.constant 0 : index
    %get3A_469 = arith.constant 0 : index
    %get3A_470 = vector.load %arg5[%get3A_468, %get3A_469] : memref<512x1024xf32, #tpu.memory_space<vmem>>, vector<512x1024xf32>
    %eq3A_471 = vector.broadcast %broadcast_in_dim3A_458 : vector<512x1xf32> to vector<512x1024xf32>
    %eq3A_472 = arith.cmpf oeq, %convert_element_type3A, %eq3A_471 : vector<512x1024xf32>
    %jit3A_473 = arith.constant 0xFF800000 : f32
    %broadcast_in_dim3A_474 = vector.broadcast %jit3A_473 : f32 to vector<512x1024xf32>
    %select_n3A_475 = arith.select %eq3A_472, %broadcast_in_dim3A_474, %get3A_470 : vector<512x1024xi1>, vector<512x1024xf32>
    %swap3A_476 = arith.constant 0 : index
    %swap3A_477 = arith.constant 0 : index
    %swap3A_478 = vector.load %arg5[%swap3A_476, %swap3A_477] : memref<512x1024xf32, #tpu.memory_space<vmem>>, vector<512x1024xf32>
    tpu.vector_store %arg5[%swap3A_476, %swap3A_477], %select_n3A_475 {strides = array<i32>} : memref<512x1024xf32, #tpu.memory_space<vmem>>, vector<512x1024xf32>,
    %reduce_max3A_479 = arith.constant dense<0xFF800000> : vector<512xf32>
    %reduce_max3A_480 = vector.multi_reduction <maximumf>, %select_n3A_475, %reduce_max3A_479 [1] : vector<512x1024xf32> to vector<512xf32>
    %broadcast_in_dim3A_481 = vector.shape_cast %reduce_max3A_480 : vector<512xf32> to vector<512x1xf32>
    %eq3A_482 = vector.broadcast %broadcast_in_dim3A_481 : vector<512x1xf32> to vector<512x1024xf32>
    %eq3A_483 = arith.cmpf oeq, %select_n3A_475, %eq3A_482 : vector<512x1024xf32>
    %jit3A_484 = arith.constant 2.048000e+03 : f32
    %broadcast_in_dim3A_485 = vector.broadcast %jit3A_484 : f32 to vector<512x1024xf32>
    %select_n3A_486 = arith.select %eq3A_483, %convert_element_type3A, %broadcast_in_dim3A_485 : vector<512x1024xi1>, vector<512x1024xf32>
    %reduce_min3A_487 = arith.constant dense<0x7F800000> : vector<512xf32>
    %reduce_min3A_488 = vector.multi_reduction <minimumf>, %select_n3A_486, %reduce_min3A_487 [1] : vector<512x1024xf32> to vector<512xf32>
    %broadcast_in_dim3A_489 = vector.shape_cast %reduce_min3A_488 : vector<512xf32> to vector<512x1xf32>
    %convert_element_type3A_490 = arith.fptosi %broadcast_in_dim3A_489 : vector<512x1xf32> to vector<512x1xi32>
    %add3A_491 = vector.broadcast %mul3A_25 : i32 to vector<512x1xi32>
    %add3A_492 = arith.addi %convert_element_type3A_490, %add3A_491 : vector<512x1xi32>
    %swap3A_493 = arith.constant 0 : index
    %swap3A_494 = arith.constant 0 : index
    %swap3A_495 = arith.constant 15 : index
    %swap3A_496 = vector.load %arg4[%swap3A_493, %swap3A_494, %swap3A_495] : memref<1x512x32xi32, #tpu.memory_space<vmem>>, vector<1x512x1xi32>
    %swap3A_497 = vector.shape_cast %swap3A_496 : vector<1x512x1xi32> to vector<512x1xi32>
    %swap3A_498 = vector.shape_cast %add3A_492 : vector<512x1xi32> to vector<1x512x1xi32>
    tpu.vector_store %arg4[%swap3A_493, %swap3A_494, %swap3A_495], %swap3A_498 {strides = array<i32>} : memref<1x512x32xi32, #tpu.memory_space<vmem>>, vector<1x512x1xi32>,
    %get3A_499 = arith.constant 0 : index
    %get3A_500 = arith.constant 0 : index
    %get3A_501 = vector.load %arg5[%get3A_499, %get3A_500] : memref<512x1024xf32, #tpu.memory_space<vmem>>, vector<512x1024xf32>
    %eq3A_502 = vector.broadcast %broadcast_in_dim3A_489 : vector<512x1xf32> to vector<512x1024xf32>
    %eq3A_503 = arith.cmpf oeq, %convert_element_type3A, %eq3A_502 : vector<512x1024xf32>
    %jit3A_504 = arith.constant 0xFF800000 : f32
    %broadcast_in_dim3A_505 = vector.broadcast %jit3A_504 : f32 to vector<512x1024xf32>
    %select_n3A_506 = arith.select %eq3A_503, %broadcast_in_dim3A_505, %get3A_501 : vector<512x1024xi1>, vector<512x1024xf32>
    %swap3A_507 = arith.constant 0 : index
    %swap3A_508 = arith.constant 0 : index
    %swap3A_509 = vector.load %arg5[%swap3A_507, %swap3A_508] : memref<512x1024xf32, #tpu.memory_space<vmem>>, vector<512x1024xf32>
    tpu.vector_store %arg5[%swap3A_507, %swap3A_508], %select_n3A_506 {strides = array<i32>} : memref<512x1024xf32, #tpu.memory_space<vmem>>, vector<512x1024xf32>,
    %reduce_max3A_510 = arith.constant dense<0xFF800000> : vector<512xf32>
    %reduce_max3A_511 = vector.multi_reduction <maximumf>, %select_n3A_506, %reduce_max3A_510 [1] : vector<512x1024xf32> to vector<512xf32>
    %broadcast_in_dim3A_512 = vector.shape_cast %reduce_max3A_511 : vector<512xf32> to vector<512x1xf32>
    %eq3A_513 = vector.broadcast %broadcast_in_dim3A_512 : vector<512x1xf32> to vector<512x1024xf32>
    %eq3A_514 = arith.cmpf oeq, %select_n3A_506, %eq3A_513 : vector<512x1024xf32>
    %jit3A_515 = arith.constant 2.048000e+03 : f32
    %broadcast_in_dim3A_516 = vector.broadcast %jit3A_515 : f32 to vector<512x1024xf32>
    %select_n3A_517 = arith.select %eq3A_514, %convert_element_type3A, %broadcast_in_dim3A_516 : vector<512x1024xi1>, vector<512x1024xf32>
    %reduce_min3A_518 = arith.constant dense<0x7F800000> : vector<512xf32>
    %reduce_min3A_519 = vector.multi_reduction <minimumf>, %select_n3A_517, %reduce_min3A_518 [1] : vector<512x1024xf32> to vector<512xf32>
    %broadcast_in_dim3A_520 = vector.shape_cast %reduce_min3A_519 : vector<512xf32> to vector<512x1xf32>
    %convert_element_type3A_521 = arith.fptosi %broadcast_in_dim3A_520 : vector<512x1xf32> to vector<512x1xi32>
    %add3A_522 = vector.broadcast %mul3A_25 : i32 to vector<512x1xi32>
    %add3A_523 = arith.addi %convert_element_type3A_521, %add3A_522 : vector<512x1xi32>
    %swap3A_524 = arith.constant 0 : index
    %swap3A_525 = arith.constant 0 : index
    %swap3A_526 = arith.constant 16 : index
    %swap3A_527 = vector.load %arg4[%swap3A_524, %swap3A_525, %swap3A_526] : memref<1x512x32xi32, #tpu.memory_space<vmem>>, vector<1x512x1xi32>
    %swap3A_528 = vector.shape_cast %swap3A_527 : vector<1x512x1xi32> to vector<512x1xi32>
    %swap3A_529 = vector.shape_cast %add3A_523 : vector<512x1xi32> to vector<1x512x1xi32>
    tpu.vector_store %arg4[%swap3A_524, %swap3A_525, %swap3A_526], %swap3A_529 {strides = array<i32>} : memref<1x512x32xi32, #tpu.memory_space<vmem>>, vector<1x512x1xi32>,
    %get3A_530 = arith.constant 0 : index
    %get3A_531 = arith.constant 0 : index
    %get3A_532 = vector.load %arg5[%get3A_530, %get3A_531] : memref<512x1024xf32, #tpu.memory_space<vmem>>, vector<512x1024xf32>
    %eq3A_533 = vector.broadcast %broadcast_in_dim3A_520 : vector<512x1xf32> to vector<512x1024xf32>
    %eq3A_534 = arith.cmpf oeq, %convert_element_type3A, %eq3A_533 : vector<512x1024xf32>
    %jit3A_535 = arith.constant 0xFF800000 : f32
    %broadcast_in_dim3A_536 = vector.broadcast %jit3A_535 : f32 to vector<512x1024xf32>
    %select_n3A_537 = arith.select %eq3A_534, %broadcast_in_dim3A_536, %get3A_532 : vector<512x1024xi1>, vector<512x1024xf32>
    %swap3A_538 = arith.constant 0 : index
    %swap3A_539 = arith.constant 0 : index
    %swap3A_540 = vector.load %arg5[%swap3A_538, %swap3A_539] : memref<512x1024xf32, #tpu.memory_space<vmem>>, vector<512x1024xf32>
    tpu.vector_store %arg5[%swap3A_538, %swap3A_539], %select_n3A_537 {strides = array<i32>} : memref<512x1024xf32, #tpu.memory_space<vmem>>, vector<512x1024xf32>,
    %reduce_max3A_541 = arith.constant dense<0xFF800000> : vector<512xf32>
    %reduce_max3A_542 = vector.multi_reduction <maximumf>, %select_n3A_537, %reduce_max3A_541 [1] : vector<512x1024xf32> to vector<512xf32>
    %broadcast_in_dim3A_543 = vector.shape_cast %reduce_max3A_542 : vector<512xf32> to vector<512x1xf32>
    %eq3A_544 = vector.broadcast %broadcast_in_dim3A_543 : vector<512x1xf32> to vector<512x1024xf32>
    %eq3A_545 = arith.cmpf oeq, %select_n3A_537, %eq3A_544 : vector<512x1024xf32>
    %jit3A_546 = arith.constant 2.048000e+03 : f32
    %broadcast_in_dim3A_547 = vector.broadcast %jit3A_546 : f32 to vector<512x1024xf32>
    %select_n3A_548 = arith.select %eq3A_545, %convert_element_type3A, %broadcast_in_dim3A_547 : vector<512x1024xi1>, vector<512x1024xf32>
    %reduce_min3A_549 = arith.constant dense<0x7F800000> : vector<512xf32>
    %reduce_min3A_550 = vector.multi_reduction <minimumf>, %select_n3A_548, %reduce_min3A_549 [1] : vector<512x1024xf32> to vector<512xf32>
    %broadcast_in_dim3A_551 = vector.shape_cast %reduce_min3A_550 : vector<512xf32> to vector<512x1xf32>
    %convert_element_type3A_552 = arith.fptosi %broadcast_in_dim3A_551 : vector<512x1xf32> to vector<512x1xi32>
    %add3A_553 = vector.broadcast %mul3A_25 : i32 to vector<512x1xi32>
    %add3A_554 = arith.addi %convert_element_type3A_552, %add3A_553 : vector<512x1xi32>
    %swap3A_555 = arith.constant 0 : index
    %swap3A_556 = arith.constant 0 : index
    %swap3A_557 = arith.constant 17 : index
    %swap3A_558 = vector.load %arg4[%swap3A_555, %swap3A_556, %swap3A_557] : memref<1x512x32xi32, #tpu.memory_space<vmem>>, vector<1x512x1xi32>
    %swap3A_559 = vector.shape_cast %swap3A_558 : vector<1x512x1xi32> to vector<512x1xi32>
    %swap3A_560 = vector.shape_cast %add3A_554 : vector<512x1xi32> to vector<1x512x1xi32>
    tpu.vector_store %arg4[%swap3A_555, %swap3A_556, %swap3A_557], %swap3A_560 {strides = array<i32>} : memref<1x512x32xi32, #tpu.memory_space<vmem>>, vector<1x512x1xi32>,
    %get3A_561 = arith.constant 0 : index
    %get3A_562 = arith.constant 0 : index
    %get3A_563 = vector.load %arg5[%get3A_561, %get3A_562] : memref<512x1024xf32, #tpu.memory_space<vmem>>, vector<512x1024xf32>
    %eq3A_564 = vector.broadcast %broadcast_in_dim3A_551 : vector<512x1xf32> to vector<512x1024xf32>
    %eq3A_565 = arith.cmpf oeq, %convert_element_type3A, %eq3A_564 : vector<512x1024xf32>
    %jit3A_566 = arith.constant 0xFF800000 : f32
    %broadcast_in_dim3A_567 = vector.broadcast %jit3A_566 : f32 to vector<512x1024xf32>
    %select_n3A_568 = arith.select %eq3A_565, %broadcast_in_dim3A_567, %get3A_563 : vector<512x1024xi1>, vector<512x1024xf32>
    %swap3A_569 = arith.constant 0 : index
    %swap3A_570 = arith.constant 0 : index
    %swap3A_571 = vector.load %arg5[%swap3A_569, %swap3A_570] : memref<512x1024xf32, #tpu.memory_space<vmem>>, vector<512x1024xf32>
    tpu.vector_store %arg5[%swap3A_569, %swap3A_570], %select_n3A_568 {strides = array<i32>} : memref<512x1024xf32, #tpu.memory_space<vmem>>, vector<512x1024xf32>,
    %reduce_max3A_572 = arith.constant dense<0xFF800000> : vector<512xf32>
    %reduce_max3A_573 = vector.multi_reduction <maximumf>, %select_n3A_568, %reduce_max3A_572 [1] : vector<512x1024xf32> to vector<512xf32>
    %broadcast_in_dim3A_574 = vector.shape_cast %reduce_max3A_573 : vector<512xf32> to vector<512x1xf32>
    %eq3A_575 = vector.broadcast %broadcast_in_dim3A_574 : vector<512x1xf32> to vector<512x1024xf32>
    %eq3A_576 = arith.cmpf oeq, %select_n3A_568, %eq3A_575 : vector<512x1024xf32>
    %jit3A_577 = arith.constant 2.048000e+03 : f32
    %broadcast_in_dim3A_578 = vector.broadcast %jit3A_577 : f32 to vector<512x1024xf32>
    %select_n3A_579 = arith.select %eq3A_576, %convert_element_type3A, %broadcast_in_dim3A_578 : vector<512x1024xi1>, vector<512x1024xf32>
    %reduce_min3A_580 = arith.constant dense<0x7F800000> : vector<512xf32>
    %reduce_min3A_581 = vector.multi_reduction <minimumf>, %select_n3A_579, %reduce_min3A_580 [1] : vector<512x1024xf32> to vector<512xf32>
    %broadcast_in_dim3A_582 = vector.shape_cast %reduce_min3A_581 : vector<512xf32> to vector<512x1xf32>
    %convert_element_type3A_583 = arith.fptosi %broadcast_in_dim3A_582 : vector<512x1xf32> to vector<512x1xi32>
    %add3A_584 = vector.broadcast %mul3A_25 : i32 to vector<512x1xi32>
    %add3A_585 = arith.addi %convert_element_type3A_583, %add3A_584 : vector<512x1xi32>
    %swap3A_586 = arith.constant 0 : index
    %swap3A_587 = arith.constant 0 : index
    %swap3A_588 = arith.constant 18 : index
    %swap3A_589 = vector.load %arg4[%swap3A_586, %swap3A_587, %swap3A_588] : memref<1x512x32xi32, #tpu.memory_space<vmem>>, vector<1x512x1xi32>
    %swap3A_590 = vector.shape_cast %swap3A_589 : vector<1x512x1xi32> to vector<512x1xi32>
    %swap3A_591 = vector.shape_cast %add3A_585 : vector<512x1xi32> to vector<1x512x1xi32>
    tpu.vector_store %arg4[%swap3A_586, %swap3A_587, %swap3A_588], %swap3A_591 {strides = array<i32>} : memref<1x512x32xi32, #tpu.memory_space<vmem>>, vector<1x512x1xi32>,
    %get3A_592 = arith.constant 0 : index
    %get3A_593 = arith.constant 0 : index
    %get3A_594 = vector.load %arg5[%get3A_592, %get3A_593] : memref<512x1024xf32, #tpu.memory_space<vmem>>, vector<512x1024xf32>
    %eq3A_595 = vector.broadcast %broadcast_in_dim3A_582 : vector<512x1xf32> to vector<512x1024xf32>
    %eq3A_596 = arith.cmpf oeq, %convert_element_type3A, %eq3A_595 : vector<512x1024xf32>
    %jit3A_597 = arith.constant 0xFF800000 : f32
    %broadcast_in_dim3A_598 = vector.broadcast %jit3A_597 : f32 to vector<512x1024xf32>
    %select_n3A_599 = arith.select %eq3A_596, %broadcast_in_dim3A_598, %get3A_594 : vector<512x1024xi1>, vector<512x1024xf32>
    %swap3A_600 = arith.constant 0 : index
    %swap3A_601 = arith.constant 0 : index
    %swap3A_602 = vector.load %arg5[%swap3A_600, %swap3A_601] : memref<512x1024xf32, #tpu.memory_space<vmem>>, vector<512x1024xf32>
    tpu.vector_store %arg5[%swap3A_600, %swap3A_601], %select_n3A_599 {strides = array<i32>} : memref<512x1024xf32, #tpu.memory_space<vmem>>, vector<512x1024xf32>,
    %reduce_max3A_603 = arith.constant dense<0xFF800000> : vector<512xf32>
    %reduce_max3A_604 = vector.multi_reduction <maximumf>, %select_n3A_599, %reduce_max3A_603 [1] : vector<512x1024xf32> to vector<512xf32>
    %broadcast_in_dim3A_605 = vector.shape_cast %reduce_max3A_604 : vector<512xf32> to vector<512x1xf32>
    %eq3A_606 = vector.broadcast %broadcast_in_dim3A_605 : vector<512x1xf32> to vector<512x1024xf32>
    %eq3A_607 = arith.cmpf oeq, %select_n3A_599, %eq3A_606 : vector<512x1024xf32>
    %jit3A_608 = arith.constant 2.048000e+03 : f32
    %broadcast_in_dim3A_609 = vector.broadcast %jit3A_608 : f32 to vector<512x1024xf32>
    %select_n3A_610 = arith.select %eq3A_607, %convert_element_type3A, %broadcast_in_dim3A_609 : vector<512x1024xi1>, vector<512x1024xf32>
    %reduce_min3A_611 = arith.constant dense<0x7F800000> : vector<512xf32>
    %reduce_min3A_612 = vector.multi_reduction <minimumf>, %select_n3A_610, %reduce_min3A_611 [1] : vector<512x1024xf32> to vector<512xf32>
    %broadcast_in_dim3A_613 = vector.shape_cast %reduce_min3A_612 : vector<512xf32> to vector<512x1xf32>
    %convert_element_type3A_614 = arith.fptosi %broadcast_in_dim3A_613 : vector<512x1xf32> to vector<512x1xi32>
    %add3A_615 = vector.broadcast %mul3A_25 : i32 to vector<512x1xi32>
    %add3A_616 = arith.addi %convert_element_type3A_614, %add3A_615 : vector<512x1xi32>
    %swap3A_617 = arith.constant 0 : index
    %swap3A_618 = arith.constant 0 : index
    %swap3A_619 = arith.constant 19 : index
    %swap3A_620 = vector.load %arg4[%swap3A_617, %swap3A_618, %swap3A_619] : memref<1x512x32xi32, #tpu.memory_space<vmem>>, vector<1x512x1xi32>
    %swap3A_621 = vector.shape_cast %swap3A_620 : vector<1x512x1xi32> to vector<512x1xi32>
    %swap3A_622 = vector.shape_cast %add3A_616 : vector<512x1xi32> to vector<1x512x1xi32>
    tpu.vector_store %arg4[%swap3A_617, %swap3A_618, %swap3A_619], %swap3A_622 {strides = array<i32>} : memref<1x512x32xi32, #tpu.memory_space<vmem>>, vector<1x512x1xi32>,
    %get3A_623 = arith.constant 0 : index
    %get3A_624 = arith.constant 0 : index
    %get3A_625 = vector.load %arg5[%get3A_623, %get3A_624] : memref<512x1024xf32, #tpu.memory_space<vmem>>, vector<512x1024xf32>
    %eq3A_626 = vector.broadcast %broadcast_in_dim3A_613 : vector<512x1xf32> to vector<512x1024xf32>
    %eq3A_627 = arith.cmpf oeq, %convert_element_type3A, %eq3A_626 : vector<512x1024xf32>
    %jit3A_628 = arith.constant 0xFF800000 : f32
    %broadcast_in_dim3A_629 = vector.broadcast %jit3A_628 : f32 to vector<512x1024xf32>
    %select_n3A_630 = arith.select %eq3A_627, %broadcast_in_dim3A_629, %get3A_625 : vector<512x1024xi1>, vector<512x1024xf32>
    %swap3A_631 = arith.constant 0 : index
    %swap3A_632 = arith.constant 0 : index
    %swap3A_633 = vector.load %arg5[%swap3A_631, %swap3A_632] : memref<512x1024xf32, #tpu.memory_space<vmem>>, vector<512x1024xf32>
    tpu.vector_store %arg5[%swap3A_631, %swap3A_632], %select_n3A_630 {strides = array<i32>} : memref<512x1024xf32, #tpu.memory_space<vmem>>, vector<512x1024xf32>,
    %reduce_max3A_634 = arith.constant dense<0xFF800000> : vector<512xf32>
    %reduce_max3A_635 = vector.multi_reduction <maximumf>, %select_n3A_630, %reduce_max3A_634 [1] : vector<512x1024xf32> to vector<512xf32>
    %broadcast_in_dim3A_636 = vector.shape_cast %reduce_max3A_635 : vector<512xf32> to vector<512x1xf32>
    %eq3A_637 = vector.broadcast %broadcast_in_dim3A_636 : vector<512x1xf32> to vector<512x1024xf32>
    %eq3A_638 = arith.cmpf oeq, %select_n3A_630, %eq3A_637 : vector<512x1024xf32>
    %jit3A_639 = arith.constant 2.048000e+03 : f32
    %broadcast_in_dim3A_640 = vector.broadcast %jit3A_639 : f32 to vector<512x1024xf32>
    %select_n3A_641 = arith.select %eq3A_638, %convert_element_type3A, %broadcast_in_dim3A_640 : vector<512x1024xi1>, vector<512x1024xf32>
    %reduce_min3A_642 = arith.constant dense<0x7F800000> : vector<512xf32>
    %reduce_min3A_643 = vector.multi_reduction <minimumf>, %select_n3A_641, %reduce_min3A_642 [1] : vector<512x1024xf32> to vector<512xf32>
    %broadcast_in_dim3A_644 = vector.shape_cast %reduce_min3A_643 : vector<512xf32> to vector<512x1xf32>
    %convert_element_type3A_645 = arith.fptosi %broadcast_in_dim3A_644 : vector<512x1xf32> to vector<512x1xi32>
    %add3A_646 = vector.broadcast %mul3A_25 : i32 to vector<512x1xi32>
    %add3A_647 = arith.addi %convert_element_type3A_645, %add3A_646 : vector<512x1xi32>
    %swap3A_648 = arith.constant 0 : index
    %swap3A_649 = arith.constant 0 : index
    %swap3A_650 = arith.constant 20 : index
    %swap3A_651 = vector.load %arg4[%swap3A_648, %swap3A_649, %swap3A_650] : memref<1x512x32xi32, #tpu.memory_space<vmem>>, vector<1x512x1xi32>
    %swap3A_652 = vector.shape_cast %swap3A_651 : vector<1x512x1xi32> to vector<512x1xi32>
    %swap3A_653 = vector.shape_cast %add3A_647 : vector<512x1xi32> to vector<1x512x1xi32>
    tpu.vector_store %arg4[%swap3A_648, %swap3A_649, %swap3A_650], %swap3A_653 {strides = array<i32>} : memref<1x512x32xi32, #tpu.memory_space<vmem>>, vector<1x512x1xi32>,
    %get3A_654 = arith.constant 0 : index
    %get3A_655 = arith.constant 0 : index
    %get3A_656 = vector.load %arg5[%get3A_654, %get3A_655] : memref<512x1024xf32, #tpu.memory_space<vmem>>, vector<512x1024xf32>
    %eq3A_657 = vector.broadcast %broadcast_in_dim3A_644 : vector<512x1xf32> to vector<512x1024xf32>
    %eq3A_658 = arith.cmpf oeq, %convert_element_type3A, %eq3A_657 : vector<512x1024xf32>
    %jit3A_659 = arith.constant 0xFF800000 : f32
    %broadcast_in_dim3A_660 = vector.broadcast %jit3A_659 : f32 to vector<512x1024xf32>
    %select_n3A_661 = arith.select %eq3A_658, %broadcast_in_dim3A_660, %get3A_656 : vector<512x1024xi1>, vector<512x1024xf32>
    %swap3A_662 = arith.constant 0 : index
    %swap3A_663 = arith.constant 0 : index
    %swap3A_664 = vector.load %arg5[%swap3A_662, %swap3A_663] : memref<512x1024xf32, #tpu.memory_space<vmem>>, vector<512x1024xf32>
    tpu.vector_store %arg5[%swap3A_662, %swap3A_663], %select_n3A_661 {strides = array<i32>} : memref<512x1024xf32, #tpu.memory_space<vmem>>, vector<512x1024xf32>,
    %reduce_max3A_665 = arith.constant dense<0xFF800000> : vector<512xf32>
    %reduce_max3A_666 = vector.multi_reduction <maximumf>, %select_n3A_661, %reduce_max3A_665 [1] : vector<512x1024xf32> to vector<512xf32>
    %broadcast_in_dim3A_667 = vector.shape_cast %reduce_max3A_666 : vector<512xf32> to vector<512x1xf32>
    %eq3A_668 = vector.broadcast %broadcast_in_dim3A_667 : vector<512x1xf32> to vector<512x1024xf32>
    %eq3A_669 = arith.cmpf oeq, %select_n3A_661, %eq3A_668 : vector<512x1024xf32>
    %jit3A_670 = arith.constant 2.048000e+03 : f32
    %broadcast_in_dim3A_671 = vector.broadcast %jit3A_670 : f32 to vector<512x1024xf32>
    %select_n3A_672 = arith.select %eq3A_669, %convert_element_type3A, %broadcast_in_dim3A_671 : vector<512x1024xi1>, vector<512x1024xf32>
    %reduce_min3A_673 = arith.constant dense<0x7F800000> : vector<512xf32>
    %reduce_min3A_674 = vector.multi_reduction <minimumf>, %select_n3A_672, %reduce_min3A_673 [1] : vector<512x1024xf32> to vector<512xf32>
    %broadcast_in_dim3A_675 = vector.shape_cast %reduce_min3A_674 : vector<512xf32> to vector<512x1xf32>
    %convert_element_type3A_676 = arith.fptosi %broadcast_in_dim3A_675 : vector<512x1xf32> to vector<512x1xi32>
    %add3A_677 = vector.broadcast %mul3A_25 : i32 to vector<512x1xi32>
    %add3A_678 = arith.addi %convert_element_type3A_676, %add3A_677 : vector<512x1xi32>
    %swap3A_679 = arith.constant 0 : index
    %swap3A_680 = arith.constant 0 : index
    %swap3A_681 = arith.constant 21 : index
    %swap3A_682 = vector.load %arg4[%swap3A_679, %swap3A_680, %swap3A_681] : memref<1x512x32xi32, #tpu.memory_space<vmem>>, vector<1x512x1xi32>
    %swap3A_683 = vector.shape_cast %swap3A_682 : vector<1x512x1xi32> to vector<512x1xi32>
    %swap3A_684 = vector.shape_cast %add3A_678 : vector<512x1xi32> to vector<1x512x1xi32>
    tpu.vector_store %arg4[%swap3A_679, %swap3A_680, %swap3A_681], %swap3A_684 {strides = array<i32>} : memref<1x512x32xi32, #tpu.memory_space<vmem>>, vector<1x512x1xi32>,
    %get3A_685 = arith.constant 0 : index
    %get3A_686 = arith.constant 0 : index
    %get3A_687 = vector.load %arg5[%get3A_685, %get3A_686] : memref<512x1024xf32, #tpu.memory_space<vmem>>, vector<512x1024xf32>
    %eq3A_688 = vector.broadcast %broadcast_in_dim3A_675 : vector<512x1xf32> to vector<512x1024xf32>
    %eq3A_689 = arith.cmpf oeq, %convert_element_type3A, %eq3A_688 : vector<512x1024xf32>
    %jit3A_690 = arith.constant 0xFF800000 : f32
    %broadcast_in_dim3A_691 = vector.broadcast %jit3A_690 : f32 to vector<512x1024xf32>
    %select_n3A_692 = arith.select %eq3A_689, %broadcast_in_dim3A_691, %get3A_687 : vector<512x1024xi1>, vector<512x1024xf32>
    %swap3A_693 = arith.constant 0 : index
    %swap3A_694 = arith.constant 0 : index
    %swap3A_695 = vector.load %arg5[%swap3A_693, %swap3A_694] : memref<512x1024xf32, #tpu.memory_space<vmem>>, vector<512x1024xf32>
    tpu.vector_store %arg5[%swap3A_693, %swap3A_694], %select_n3A_692 {strides = array<i32>} : memref<512x1024xf32, #tpu.memory_space<vmem>>, vector<512x1024xf32>,
    %reduce_max3A_696 = arith.constant dense<0xFF800000> : vector<512xf32>
    %reduce_max3A_697 = vector.multi_reduction <maximumf>, %select_n3A_692, %reduce_max3A_696 [1] : vector<512x1024xf32> to vector<512xf32>
    %broadcast_in_dim3A_698 = vector.shape_cast %reduce_max3A_697 : vector<512xf32> to vector<512x1xf32>
    %eq3A_699 = vector.broadcast %broadcast_in_dim3A_698 : vector<512x1xf32> to vector<512x1024xf32>
    %eq3A_700 = arith.cmpf oeq, %select_n3A_692, %eq3A_699 : vector<512x1024xf32>
    %jit3A_701 = arith.constant 2.048000e+03 : f32
    %broadcast_in_dim3A_702 = vector.broadcast %jit3A_701 : f32 to vector<512x1024xf32>
    %select_n3A_703 = arith.select %eq3A_700, %convert_element_type3A, %broadcast_in_dim3A_702 : vector<512x1024xi1>, vector<512x1024xf32>
    %reduce_min3A_704 = arith.constant dense<0x7F800000> : vector<512xf32>
    %reduce_min3A_705 = vector.multi_reduction <minimumf>, %select_n3A_703, %reduce_min3A_704 [1] : vector<512x1024xf32> to vector<512xf32>
    %broadcast_in_dim3A_706 = vector.shape_cast %reduce_min3A_705 : vector<512xf32> to vector<512x1xf32>
    %convert_element_type3A_707 = arith.fptosi %broadcast_in_dim3A_706 : vector<512x1xf32> to vector<512x1xi32>
    %add3A_708 = vector.broadcast %mul3A_25 : i32 to vector<512x1xi32>
    %add3A_709 = arith.addi %convert_element_type3A_707, %add3A_708 : vector<512x1xi32>
    %swap3A_710 = arith.constant 0 : index
    %swap3A_711 = arith.constant 0 : index
    %swap3A_712 = arith.constant 22 : index
    %swap3A_713 = vector.load %arg4[%swap3A_710, %swap3A_711, %swap3A_712] : memref<1x512x32xi32, #tpu.memory_space<vmem>>, vector<1x512x1xi32>
    %swap3A_714 = vector.shape_cast %swap3A_713 : vector<1x512x1xi32> to vector<512x1xi32>
    %swap3A_715 = vector.shape_cast %add3A_709 : vector<512x1xi32> to vector<1x512x1xi32>
    tpu.vector_store %arg4[%swap3A_710, %swap3A_711, %swap3A_712], %swap3A_715 {strides = array<i32>} : memref<1x512x32xi32, #tpu.memory_space<vmem>>, vector<1x512x1xi32>,
    %get3A_716 = arith.constant 0 : index
    %get3A_717 = arith.constant 0 : index
    %get3A_718 = vector.load %arg5[%get3A_716, %get3A_717] : memref<512x1024xf32, #tpu.memory_space<vmem>>, vector<512x1024xf32>
    %eq3A_719 = vector.broadcast %broadcast_in_dim3A_706 : vector<512x1xf32> to vector<512x1024xf32>
    %eq3A_720 = arith.cmpf oeq, %convert_element_type3A, %eq3A_719 : vector<512x1024xf32>
    %jit3A_721 = arith.constant 0xFF800000 : f32
    %broadcast_in_dim3A_722 = vector.broadcast %jit3A_721 : f32 to vector<512x1024xf32>
    %select_n3A_723 = arith.select %eq3A_720, %broadcast_in_dim3A_722, %get3A_718 : vector<512x1024xi1>, vector<512x1024xf32>
    %swap3A_724 = arith.constant 0 : index
    %swap3A_725 = arith.constant 0 : index
    %swap3A_726 = vector.load %arg5[%swap3A_724, %swap3A_725] : memref<512x1024xf32, #tpu.memory_space<vmem>>, vector<512x1024xf32>
    tpu.vector_store %arg5[%swap3A_724, %swap3A_725], %select_n3A_723 {strides = array<i32>} : memref<512x1024xf32, #tpu.memory_space<vmem>>, vector<512x1024xf32>,
    %reduce_max3A_727 = arith.constant dense<0xFF800000> : vector<512xf32>
    %reduce_max3A_728 = vector.multi_reduction <maximumf>, %select_n3A_723, %reduce_max3A_727 [1] : vector<512x1024xf32> to vector<512xf32>
    %broadcast_in_dim3A_729 = vector.shape_cast %reduce_max3A_728 : vector<512xf32> to vector<512x1xf32>
    %eq3A_730 = vector.broadcast %broadcast_in_dim3A_729 : vector<512x1xf32> to vector<512x1024xf32>
    %eq3A_731 = arith.cmpf oeq, %select_n3A_723, %eq3A_730 : vector<512x1024xf32>
    %jit3A_732 = arith.constant 2.048000e+03 : f32
    %broadcast_in_dim3A_733 = vector.broadcast %jit3A_732 : f32 to vector<512x1024xf32>
    %select_n3A_734 = arith.select %eq3A_731, %convert_element_type3A, %broadcast_in_dim3A_733 : vector<512x1024xi1>, vector<512x1024xf32>
    %reduce_min3A_735 = arith.constant dense<0x7F800000> : vector<512xf32>
    %reduce_min3A_736 = vector.multi_reduction <minimumf>, %select_n3A_734, %reduce_min3A_735 [1] : vector<512x1024xf32> to vector<512xf32>
    %broadcast_in_dim3A_737 = vector.shape_cast %reduce_min3A_736 : vector<512xf32> to vector<512x1xf32>
    %convert_element_type3A_738 = arith.fptosi %broadcast_in_dim3A_737 : vector<512x1xf32> to vector<512x1xi32>
    %add3A_739 = vector.broadcast %mul3A_25 : i32 to vector<512x1xi32>
    %add3A_740 = arith.addi %convert_element_type3A_738, %add3A_739 : vector<512x1xi32>
    %swap3A_741 = arith.constant 0 : index
    %swap3A_742 = arith.constant 0 : index
    %swap3A_743 = arith.constant 23 : index
    %swap3A_744 = vector.load %arg4[%swap3A_741, %swap3A_742, %swap3A_743] : memref<1x512x32xi32, #tpu.memory_space<vmem>>, vector<1x512x1xi32>
    %swap3A_745 = vector.shape_cast %swap3A_744 : vector<1x512x1xi32> to vector<512x1xi32>
    %swap3A_746 = vector.shape_cast %add3A_740 : vector<512x1xi32> to vector<1x512x1xi32>
    tpu.vector_store %arg4[%swap3A_741, %swap3A_742, %swap3A_743], %swap3A_746 {strides = array<i32>} : memref<1x512x32xi32, #tpu.memory_space<vmem>>, vector<1x512x1xi32>,
    %get3A_747 = arith.constant 0 : index
    %get3A_748 = arith.constant 0 : index
    %get3A_749 = vector.load %arg5[%get3A_747, %get3A_748] : memref<512x1024xf32, #tpu.memory_space<vmem>>, vector<512x1024xf32>
    %eq3A_750 = vector.broadcast %broadcast_in_dim3A_737 : vector<512x1xf32> to vector<512x1024xf32>
    %eq3A_751 = arith.cmpf oeq, %convert_element_type3A, %eq3A_750 : vector<512x1024xf32>
    %jit3A_752 = arith.constant 0xFF800000 : f32
    %broadcast_in_dim3A_753 = vector.broadcast %jit3A_752 : f32 to vector<512x1024xf32>
    %select_n3A_754 = arith.select %eq3A_751, %broadcast_in_dim3A_753, %get3A_749 : vector<512x1024xi1>, vector<512x1024xf32>
    %swap3A_755 = arith.constant 0 : index
    %swap3A_756 = arith.constant 0 : index
    %swap3A_757 = vector.load %arg5[%swap3A_755, %swap3A_756] : memref<512x1024xf32, #tpu.memory_space<vmem>>, vector<512x1024xf32>
    tpu.vector_store %arg5[%swap3A_755, %swap3A_756], %select_n3A_754 {strides = array<i32>} : memref<512x1024xf32, #tpu.memory_space<vmem>>, vector<512x1024xf32>,
    %reduce_max3A_758 = arith.constant dense<0xFF800000> : vector<512xf32>
    %reduce_max3A_759 = vector.multi_reduction <maximumf>, %select_n3A_754, %reduce_max3A_758 [1] : vector<512x1024xf32> to vector<512xf32>
    %broadcast_in_dim3A_760 = vector.shape_cast %reduce_max3A_759 : vector<512xf32> to vector<512x1xf32>
    %eq3A_761 = vector.broadcast %broadcast_in_dim3A_760 : vector<512x1xf32> to vector<512x1024xf32>
    %eq3A_762 = arith.cmpf oeq, %select_n3A_754, %eq3A_761 : vector<512x1024xf32>
    %jit3A_763 = arith.constant 2.048000e+03 : f32
    %broadcast_in_dim3A_764 = vector.broadcast %jit3A_763 : f32 to vector<512x1024xf32>
    %select_n3A_765 = arith.select %eq3A_762, %convert_element_type3A, %broadcast_in_dim3A_764 : vector<512x1024xi1>, vector<512x1024xf32>
    %reduce_min3A_766 = arith.constant dense<0x7F800000> : vector<512xf32>
    %reduce_min3A_767 = vector.multi_reduction <minimumf>, %select_n3A_765, %reduce_min3A_766 [1] : vector<512x1024xf32> to vector<512xf32>
    %broadcast_in_dim3A_768 = vector.shape_cast %reduce_min3A_767 : vector<512xf32> to vector<512x1xf32>
    %convert_element_type3A_769 = arith.fptosi %broadcast_in_dim3A_768 : vector<512x1xf32> to vector<512x1xi32>
    %add3A_770 = vector.broadcast %mul3A_25 : i32 to vector<512x1xi32>
    %add3A_771 = arith.addi %convert_element_type3A_769, %add3A_770 : vector<512x1xi32>
    %swap3A_772 = arith.constant 0 : index
    %swap3A_773 = arith.constant 0 : index
    %swap3A_774 = arith.constant 24 : index
    %swap3A_775 = vector.load %arg4[%swap3A_772, %swap3A_773, %swap3A_774] : memref<1x512x32xi32, #tpu.memory_space<vmem>>, vector<1x512x1xi32>
    %swap3A_776 = vector.shape_cast %swap3A_775 : vector<1x512x1xi32> to vector<512x1xi32>
    %swap3A_777 = vector.shape_cast %add3A_771 : vector<512x1xi32> to vector<1x512x1xi32>
    tpu.vector_store %arg4[%swap3A_772, %swap3A_773, %swap3A_774], %swap3A_777 {strides = array<i32>} : memref<1x512x32xi32, #tpu.memory_space<vmem>>, vector<1x512x1xi32>,
    %get3A_778 = arith.constant 0 : index
    %get3A_779 = arith.constant 0 : index
    %get3A_780 = vector.load %arg5[%get3A_778, %get3A_779] : memref<512x1024xf32, #tpu.memory_space<vmem>>, vector<512x1024xf32>
    %eq3A_781 = vector.broadcast %broadcast_in_dim3A_768 : vector<512x1xf32> to vector<512x1024xf32>
    %eq3A_782 = arith.cmpf oeq, %convert_element_type3A, %eq3A_781 : vector<512x1024xf32>
    %jit3A_783 = arith.constant 0xFF800000 : f32
    %broadcast_in_dim3A_784 = vector.broadcast %jit3A_783 : f32 to vector<512x1024xf32>
    %select_n3A_785 = arith.select %eq3A_782, %broadcast_in_dim3A_784, %get3A_780 : vector<512x1024xi1>, vector<512x1024xf32>
    %swap3A_786 = arith.constant 0 : index
    %swap3A_787 = arith.constant 0 : index
    %swap3A_788 = vector.load %arg5[%swap3A_786, %swap3A_787] : memref<512x1024xf32, #tpu.memory_space<vmem>>, vector<512x1024xf32>
    tpu.vector_store %arg5[%swap3A_786, %swap3A_787], %select_n3A_785 {strides = array<i32>} : memref<512x1024xf32, #tpu.memory_space<vmem>>, vector<512x1024xf32>,
    %reduce_max3A_789 = arith.constant dense<0xFF800000> : vector<512xf32>
    %reduce_max3A_790 = vector.multi_reduction <maximumf>, %select_n3A_785, %reduce_max3A_789 [1] : vector<512x1024xf32> to vector<512xf32>
    %broadcast_in_dim3A_791 = vector.shape_cast %reduce_max3A_790 : vector<512xf32> to vector<512x1xf32>
    %eq3A_792 = vector.broadcast %broadcast_in_dim3A_791 : vector<512x1xf32> to vector<512x1024xf32>
    %eq3A_793 = arith.cmpf oeq, %select_n3A_785, %eq3A_792 : vector<512x1024xf32>
    %jit3A_794 = arith.constant 2.048000e+03 : f32
    %broadcast_in_dim3A_795 = vector.broadcast %jit3A_794 : f32 to vector<512x1024xf32>
    %select_n3A_796 = arith.select %eq3A_793, %convert_element_type3A, %broadcast_in_dim3A_795 : vector<512x1024xi1>, vector<512x1024xf32>
    %reduce_min3A_797 = arith.constant dense<0x7F800000> : vector<512xf32>
    %reduce_min3A_798 = vector.multi_reduction <minimumf>, %select_n3A_796, %reduce_min3A_797 [1] : vector<512x1024xf32> to vector<512xf32>
    %broadcast_in_dim3A_799 = vector.shape_cast %reduce_min3A_798 : vector<512xf32> to vector<512x1xf32>
    %convert_element_type3A_800 = arith.fptosi %broadcast_in_dim3A_799 : vector<512x1xf32> to vector<512x1xi32>
    %add3A_801 = vector.broadcast %mul3A_25 : i32 to vector<512x1xi32>
    %add3A_802 = arith.addi %convert_element_type3A_800, %add3A_801 : vector<512x1xi32>
    %swap3A_803 = arith.constant 0 : index
    %swap3A_804 = arith.constant 0 : index
    %swap3A_805 = arith.constant 25 : index
    %swap3A_806 = vector.load %arg4[%swap3A_803, %swap3A_804, %swap3A_805] : memref<1x512x32xi32, #tpu.memory_space<vmem>>, vector<1x512x1xi32>
    %swap3A_807 = vector.shape_cast %swap3A_806 : vector<1x512x1xi32> to vector<512x1xi32>
    %swap3A_808 = vector.shape_cast %add3A_802 : vector<512x1xi32> to vector<1x512x1xi32>
    tpu.vector_store %arg4[%swap3A_803, %swap3A_804, %swap3A_805], %swap3A_808 {strides = array<i32>} : memref<1x512x32xi32, #tpu.memory_space<vmem>>, vector<1x512x1xi32>,
    %get3A_809 = arith.constant 0 : index
    %get3A_810 = arith.constant 0 : index
    %get3A_811 = vector.load %arg5[%get3A_809, %get3A_810] : memref<512x1024xf32, #tpu.memory_space<vmem>>, vector<512x1024xf32>
    %eq3A_812 = vector.broadcast %broadcast_in_dim3A_799 : vector<512x1xf32> to vector<512x1024xf32>
    %eq3A_813 = arith.cmpf oeq, %convert_element_type3A, %eq3A_812 : vector<512x1024xf32>
    %jit3A_814 = arith.constant 0xFF800000 : f32
    %broadcast_in_dim3A_815 = vector.broadcast %jit3A_814 : f32 to vector<512x1024xf32>
    %select_n3A_816 = arith.select %eq3A_813, %broadcast_in_dim3A_815, %get3A_811 : vector<512x1024xi1>, vector<512x1024xf32>
    %swap3A_817 = arith.constant 0 : index
    %swap3A_818 = arith.constant 0 : index
    %swap3A_819 = vector.load %arg5[%swap3A_817, %swap3A_818] : memref<512x1024xf32, #tpu.memory_space<vmem>>, vector<512x1024xf32>
    tpu.vector_store %arg5[%swap3A_817, %swap3A_818], %select_n3A_816 {strides = array<i32>} : memref<512x1024xf32, #tpu.memory_space<vmem>>, vector<512x1024xf32>,
    %reduce_max3A_820 = arith.constant dense<0xFF800000> : vector<512xf32>
    %reduce_max3A_821 = vector.multi_reduction <maximumf>, %select_n3A_816, %reduce_max3A_820 [1] : vector<512x1024xf32> to vector<512xf32>
    %broadcast_in_dim3A_822 = vector.shape_cast %reduce_max3A_821 : vector<512xf32> to vector<512x1xf32>
    %eq3A_823 = vector.broadcast %broadcast_in_dim3A_822 : vector<512x1xf32> to vector<512x1024xf32>
    %eq3A_824 = arith.cmpf oeq, %select_n3A_816, %eq3A_823 : vector<512x1024xf32>
    %jit3A_825 = arith.constant 2.048000e+03 : f32
    %broadcast_in_dim3A_826 = vector.broadcast %jit3A_825 : f32 to vector<512x1024xf32>
    %select_n3A_827 = arith.select %eq3A_824, %convert_element_type3A, %broadcast_in_dim3A_826 : vector<512x1024xi1>, vector<512x1024xf32>
    %reduce_min3A_828 = arith.constant dense<0x7F800000> : vector<512xf32>
    %reduce_min3A_829 = vector.multi_reduction <minimumf>, %select_n3A_827, %reduce_min3A_828 [1] : vector<512x1024xf32> to vector<512xf32>
    %broadcast_in_dim3A_830 = vector.shape_cast %reduce_min3A_829 : vector<512xf32> to vector<512x1xf32>
    %convert_element_type3A_831 = arith.fptosi %broadcast_in_dim3A_830 : vector<512x1xf32> to vector<512x1xi32>
    %add3A_832 = vector.broadcast %mul3A_25 : i32 to vector<512x1xi32>
    %add3A_833 = arith.addi %convert_element_type3A_831, %add3A_832 : vector<512x1xi32>
    %swap3A_834 = arith.constant 0 : index
    %swap3A_835 = arith.constant 0 : index
    %swap3A_836 = arith.constant 26 : index
    %swap3A_837 = vector.load %arg4[%swap3A_834, %swap3A_835, %swap3A_836] : memref<1x512x32xi32, #tpu.memory_space<vmem>>, vector<1x512x1xi32>
    %swap3A_838 = vector.shape_cast %swap3A_837 : vector<1x512x1xi32> to vector<512x1xi32>
    %swap3A_839 = vector.shape_cast %add3A_833 : vector<512x1xi32> to vector<1x512x1xi32>
    tpu.vector_store %arg4[%swap3A_834, %swap3A_835, %swap3A_836], %swap3A_839 {strides = array<i32>} : memref<1x512x32xi32, #tpu.memory_space<vmem>>, vector<1x512x1xi32>,
    %get3A_840 = arith.constant 0 : index
    %get3A_841 = arith.constant 0 : index
    %get3A_842 = vector.load %arg5[%get3A_840, %get3A_841] : memref<512x1024xf32, #tpu.memory_space<vmem>>, vector<512x1024xf32>
    %eq3A_843 = vector.broadcast %broadcast_in_dim3A_830 : vector<512x1xf32> to vector<512x1024xf32>
    %eq3A_844 = arith.cmpf oeq, %convert_element_type3A, %eq3A_843 : vector<512x1024xf32>
    %jit3A_845 = arith.constant 0xFF800000 : f32
    %broadcast_in_dim3A_846 = vector.broadcast %jit3A_845 : f32 to vector<512x1024xf32>
    %select_n3A_847 = arith.select %eq3A_844, %broadcast_in_dim3A_846, %get3A_842 : vector<512x1024xi1>, vector<512x1024xf32>
    %swap3A_848 = arith.constant 0 : index
    %swap3A_849 = arith.constant 0 : index
    %swap3A_850 = vector.load %arg5[%swap3A_848, %swap3A_849] : memref<512x1024xf32, #tpu.memory_space<vmem>>, vector<512x1024xf32>
    tpu.vector_store %arg5[%swap3A_848, %swap3A_849], %select_n3A_847 {strides = array<i32>} : memref<512x1024xf32, #tpu.memory_space<vmem>>, vector<512x1024xf32>,
    %reduce_max3A_851 = arith.constant dense<0xFF800000> : vector<512xf32>
    %reduce_max3A_852 = vector.multi_reduction <maximumf>, %select_n3A_847, %reduce_max3A_851 [1] : vector<512x1024xf32> to vector<512xf32>
    %broadcast_in_dim3A_853 = vector.shape_cast %reduce_max3A_852 : vector<512xf32> to vector<512x1xf32>
    %eq3A_854 = vector.broadcast %broadcast_in_dim3A_853 : vector<512x1xf32> to vector<512x1024xf32>
    %eq3A_855 = arith.cmpf oeq, %select_n3A_847, %eq3A_854 : vector<512x1024xf32>
    %jit3A_856 = arith.constant 2.048000e+03 : f32
    %broadcast_in_dim3A_857 = vector.broadcast %jit3A_856 : f32 to vector<512x1024xf32>
    %select_n3A_858 = arith.select %eq3A_855, %convert_element_type3A, %broadcast_in_dim3A_857 : vector<512x1024xi1>, vector<512x1024xf32>
    %reduce_min3A_859 = arith.constant dense<0x7F800000> : vector<512xf32>
    %reduce_min3A_860 = vector.multi_reduction <minimumf>, %select_n3A_858, %reduce_min3A_859 [1] : vector<512x1024xf32> to vector<512xf32>
    %broadcast_in_dim3A_861 = vector.shape_cast %reduce_min3A_860 : vector<512xf32> to vector<512x1xf32>
    %convert_element_type3A_862 = arith.fptosi %broadcast_in_dim3A_861 : vector<512x1xf32> to vector<512x1xi32>
    %add3A_863 = vector.broadcast %mul3A_25 : i32 to vector<512x1xi32>
    %add3A_864 = arith.addi %convert_element_type3A_862, %add3A_863 : vector<512x1xi32>
    %swap3A_865 = arith.constant 0 : index
    %swap3A_866 = arith.constant 0 : index
    %swap3A_867 = arith.constant 27 : index
    %swap3A_868 = vector.load %arg4[%swap3A_865, %swap3A_866, %swap3A_867] : memref<1x512x32xi32, #tpu.memory_space<vmem>>, vector<1x512x1xi32>
    %swap3A_869 = vector.shape_cast %swap3A_868 : vector<1x512x1xi32> to vector<512x1xi32>
    %swap3A_870 = vector.shape_cast %add3A_864 : vector<512x1xi32> to vector<1x512x1xi32>
    tpu.vector_store %arg4[%swap3A_865, %swap3A_866, %swap3A_867], %swap3A_870 {strides = array<i32>} : memref<1x512x32xi32, #tpu.memory_space<vmem>>, vector<1x512x1xi32>,
    %get3A_871 = arith.constant 0 : index
    %get3A_872 = arith.constant 0 : index
    %get3A_873 = vector.load %arg5[%get3A_871, %get3A_872] : memref<512x1024xf32, #tpu.memory_space<vmem>>, vector<512x1024xf32>
    %eq3A_874 = vector.broadcast %broadcast_in_dim3A_861 : vector<512x1xf32> to vector<512x1024xf32>
    %eq3A_875 = arith.cmpf oeq, %convert_element_type3A, %eq3A_874 : vector<512x1024xf32>
    %jit3A_876 = arith.constant 0xFF800000 : f32
    %broadcast_in_dim3A_877 = vector.broadcast %jit3A_876 : f32 to vector<512x1024xf32>
    %select_n3A_878 = arith.select %eq3A_875, %broadcast_in_dim3A_877, %get3A_873 : vector<512x1024xi1>, vector<512x1024xf32>
    %swap3A_879 = arith.constant 0 : index
    %swap3A_880 = arith.constant 0 : index
    %swap3A_881 = vector.load %arg5[%swap3A_879, %swap3A_880] : memref<512x1024xf32, #tpu.memory_space<vmem>>, vector<512x1024xf32>
    tpu.vector_store %arg5[%swap3A_879, %swap3A_880], %select_n3A_878 {strides = array<i32>} : memref<512x1024xf32, #tpu.memory_space<vmem>>, vector<512x1024xf32>,
    %reduce_max3A_882 = arith.constant dense<0xFF800000> : vector<512xf32>
    %reduce_max3A_883 = vector.multi_reduction <maximumf>, %select_n3A_878, %reduce_max3A_882 [1] : vector<512x1024xf32> to vector<512xf32>
    %broadcast_in_dim3A_884 = vector.shape_cast %reduce_max3A_883 : vector<512xf32> to vector<512x1xf32>
    %eq3A_885 = vector.broadcast %broadcast_in_dim3A_884 : vector<512x1xf32> to vector<512x1024xf32>
    %eq3A_886 = arith.cmpf oeq, %select_n3A_878, %eq3A_885 : vector<512x1024xf32>
    %jit3A_887 = arith.constant 2.048000e+03 : f32
    %broadcast_in_dim3A_888 = vector.broadcast %jit3A_887 : f32 to vector<512x1024xf32>
    %select_n3A_889 = arith.select %eq3A_886, %convert_element_type3A, %broadcast_in_dim3A_888 : vector<512x1024xi1>, vector<512x1024xf32>
    %reduce_min3A_890 = arith.constant dense<0x7F800000> : vector<512xf32>
    %reduce_min3A_891 = vector.multi_reduction <minimumf>, %select_n3A_889, %reduce_min3A_890 [1] : vector<512x1024xf32> to vector<512xf32>
    %broadcast_in_dim3A_892 = vector.shape_cast %reduce_min3A_891 : vector<512xf32> to vector<512x1xf32>
    %convert_element_type3A_893 = arith.fptosi %broadcast_in_dim3A_892 : vector<512x1xf32> to vector<512x1xi32>
    %add3A_894 = vector.broadcast %mul3A_25 : i32 to vector<512x1xi32>
    %add3A_895 = arith.addi %convert_element_type3A_893, %add3A_894 : vector<512x1xi32>
    %swap3A_896 = arith.constant 0 : index
    %swap3A_897 = arith.constant 0 : index
    %swap3A_898 = arith.constant 28 : index
    %swap3A_899 = vector.load %arg4[%swap3A_896, %swap3A_897, %swap3A_898] : memref<1x512x32xi32, #tpu.memory_space<vmem>>, vector<1x512x1xi32>
    %swap3A_900 = vector.shape_cast %swap3A_899 : vector<1x512x1xi32> to vector<512x1xi32>
    %swap3A_901 = vector.shape_cast %add3A_895 : vector<512x1xi32> to vector<1x512x1xi32>
    tpu.vector_store %arg4[%swap3A_896, %swap3A_897, %swap3A_898], %swap3A_901 {strides = array<i32>} : memref<1x512x32xi32, #tpu.memory_space<vmem>>, vector<1x512x1xi32>,
    %get3A_902 = arith.constant 0 : index
    %get3A_903 = arith.constant 0 : index
    %get3A_904 = vector.load %arg5[%get3A_902, %get3A_903] : memref<512x1024xf32, #tpu.memory_space<vmem>>, vector<512x1024xf32>
    %eq3A_905 = vector.broadcast %broadcast_in_dim3A_892 : vector<512x1xf32> to vector<512x1024xf32>
    %eq3A_906 = arith.cmpf oeq, %convert_element_type3A, %eq3A_905 : vector<512x1024xf32>
    %jit3A_907 = arith.constant 0xFF800000 : f32
    %broadcast_in_dim3A_908 = vector.broadcast %jit3A_907 : f32 to vector<512x1024xf32>
    %select_n3A_909 = arith.select %eq3A_906, %broadcast_in_dim3A_908, %get3A_904 : vector<512x1024xi1>, vector<512x1024xf32>
    %swap3A_910 = arith.constant 0 : index
    %swap3A_911 = arith.constant 0 : index
    %swap3A_912 = vector.load %arg5[%swap3A_910, %swap3A_911] : memref<512x1024xf32, #tpu.memory_space<vmem>>, vector<512x1024xf32>
    tpu.vector_store %arg5[%swap3A_910, %swap3A_911], %select_n3A_909 {strides = array<i32>} : memref<512x1024xf32, #tpu.memory_space<vmem>>, vector<512x1024xf32>,
    %reduce_max3A_913 = arith.constant dense<0xFF800000> : vector<512xf32>
    %reduce_max3A_914 = vector.multi_reduction <maximumf>, %select_n3A_909, %reduce_max3A_913 [1] : vector<512x1024xf32> to vector<512xf32>
    %broadcast_in_dim3A_915 = vector.shape_cast %reduce_max3A_914 : vector<512xf32> to vector<512x1xf32>
    %eq3A_916 = vector.broadcast %broadcast_in_dim3A_915 : vector<512x1xf32> to vector<512x1024xf32>
    %eq3A_917 = arith.cmpf oeq, %select_n3A_909, %eq3A_916 : vector<512x1024xf32>
    %jit3A_918 = arith.constant 2.048000e+03 : f32
    %broadcast_in_dim3A_919 = vector.broadcast %jit3A_918 : f32 to vector<512x1024xf32>
    %select_n3A_920 = arith.select %eq3A_917, %convert_element_type3A, %broadcast_in_dim3A_919 : vector<512x1024xi1>, vector<512x1024xf32>
    %reduce_min3A_921 = arith.constant dense<0x7F800000> : vector<512xf32>
    %reduce_min3A_922 = vector.multi_reduction <minimumf>, %select_n3A_920, %reduce_min3A_921 [1] : vector<512x1024xf32> to vector<512xf32>
    %broadcast_in_dim3A_923 = vector.shape_cast %reduce_min3A_922 : vector<512xf32> to vector<512x1xf32>
    %convert_element_type3A_924 = arith.fptosi %broadcast_in_dim3A_923 : vector<512x1xf32> to vector<512x1xi32>
    %add3A_925 = vector.broadcast %mul3A_25 : i32 to vector<512x1xi32>
    %add3A_926 = arith.addi %convert_element_type3A_924, %add3A_925 : vector<512x1xi32>
    %swap3A_927 = arith.constant 0 : index
    %swap3A_928 = arith.constant 0 : index
    %swap3A_929 = arith.constant 29 : index
    %swap3A_930 = vector.load %arg4[%swap3A_927, %swap3A_928, %swap3A_929] : memref<1x512x32xi32, #tpu.memory_space<vmem>>, vector<1x512x1xi32>
    %swap3A_931 = vector.shape_cast %swap3A_930 : vector<1x512x1xi32> to vector<512x1xi32>
    %swap3A_932 = vector.shape_cast %add3A_926 : vector<512x1xi32> to vector<1x512x1xi32>
    tpu.vector_store %arg4[%swap3A_927, %swap3A_928, %swap3A_929], %swap3A_932 {strides = array<i32>} : memref<1x512x32xi32, #tpu.memory_space<vmem>>, vector<1x512x1xi32>,
    %get3A_933 = arith.constant 0 : index
    %get3A_934 = arith.constant 0 : index
    %get3A_935 = vector.load %arg5[%get3A_933, %get3A_934] : memref<512x1024xf32, #tpu.memory_space<vmem>>, vector<512x1024xf32>
    %eq3A_936 = vector.broadcast %broadcast_in_dim3A_923 : vector<512x1xf32> to vector<512x1024xf32>
    %eq3A_937 = arith.cmpf oeq, %convert_element_type3A, %eq3A_936 : vector<512x1024xf32>
    %jit3A_938 = arith.constant 0xFF800000 : f32
    %broadcast_in_dim3A_939 = vector.broadcast %jit3A_938 : f32 to vector<512x1024xf32>
    %select_n3A_940 = arith.select %eq3A_937, %broadcast_in_dim3A_939, %get3A_935 : vector<512x1024xi1>, vector<512x1024xf32>
    %swap3A_941 = arith.constant 0 : index
    %swap3A_942 = arith.constant 0 : index
    %swap3A_943 = vector.load %arg5[%swap3A_941, %swap3A_942] : memref<512x1024xf32, #tpu.memory_space<vmem>>, vector<512x1024xf32>
    tpu.vector_store %arg5[%swap3A_941, %swap3A_942], %select_n3A_940 {strides = array<i32>} : memref<512x1024xf32, #tpu.memory_space<vmem>>, vector<512x1024xf32>,
    %reduce_max3A_944 = arith.constant dense<0xFF800000> : vector<512xf32>
    %reduce_max3A_945 = vector.multi_reduction <maximumf>, %select_n3A_940, %reduce_max3A_944 [1] : vector<512x1024xf32> to vector<512xf32>
    %broadcast_in_dim3A_946 = vector.shape_cast %reduce_max3A_945 : vector<512xf32> to vector<512x1xf32>
    %eq3A_947 = vector.broadcast %broadcast_in_dim3A_946 : vector<512x1xf32> to vector<512x1024xf32>
    %eq3A_948 = arith.cmpf oeq, %select_n3A_940, %eq3A_947 : vector<512x1024xf32>
    %jit3A_949 = arith.constant 2.048000e+03 : f32
    %broadcast_in_dim3A_950 = vector.broadcast %jit3A_949 : f32 to vector<512x1024xf32>
    %select_n3A_951 = arith.select %eq3A_948, %convert_element_type3A, %broadcast_in_dim3A_950 : vector<512x1024xi1>, vector<512x1024xf32>
    %reduce_min3A_952 = arith.constant dense<0x7F800000> : vector<512xf32>
    %reduce_min3A_953 = vector.multi_reduction <minimumf>, %select_n3A_951, %reduce_min3A_952 [1] : vector<512x1024xf32> to vector<512xf32>
    %broadcast_in_dim3A_954 = vector.shape_cast %reduce_min3A_953 : vector<512xf32> to vector<512x1xf32>
    %convert_element_type3A_955 = arith.fptosi %broadcast_in_dim3A_954 : vector<512x1xf32> to vector<512x1xi32>
    %add3A_956 = vector.broadcast %mul3A_25 : i32 to vector<512x1xi32>
    %add3A_957 = arith.addi %convert_element_type3A_955, %add3A_956 : vector<512x1xi32>
    %swap3A_958 = arith.constant 0 : index
    %swap3A_959 = arith.constant 0 : index
    %swap3A_960 = arith.constant 30 : index
    %swap3A_961 = vector.load %arg4[%swap3A_958, %swap3A_959, %swap3A_960] : memref<1x512x32xi32, #tpu.memory_space<vmem>>, vector<1x512x1xi32>
    %swap3A_962 = vector.shape_cast %swap3A_961 : vector<1x512x1xi32> to vector<512x1xi32>
    %swap3A_963 = vector.shape_cast %add3A_957 : vector<512x1xi32> to vector<1x512x1xi32>
    tpu.vector_store %arg4[%swap3A_958, %swap3A_959, %swap3A_960], %swap3A_963 {strides = array<i32>} : memref<1x512x32xi32, #tpu.memory_space<vmem>>, vector<1x512x1xi32>,
    %get3A_964 = arith.constant 0 : index
    %get3A_965 = arith.constant 0 : index
    %get3A_966 = vector.load %arg5[%get3A_964, %get3A_965] : memref<512x1024xf32, #tpu.memory_space<vmem>>, vector<512x1024xf32>
    %eq3A_967 = vector.broadcast %broadcast_in_dim3A_954 : vector<512x1xf32> to vector<512x1024xf32>
    %eq3A_968 = arith.cmpf oeq, %convert_element_type3A, %eq3A_967 : vector<512x1024xf32>
    %jit3A_969 = arith.constant 0xFF800000 : f32
    %broadcast_in_dim3A_970 = vector.broadcast %jit3A_969 : f32 to vector<512x1024xf32>
    %select_n3A_971 = arith.select %eq3A_968, %broadcast_in_dim3A_970, %get3A_966 : vector<512x1024xi1>, vector<512x1024xf32>
    %swap3A_972 = arith.constant 0 : index
    %swap3A_973 = arith.constant 0 : index
    %swap3A_974 = vector.load %arg5[%swap3A_972, %swap3A_973] : memref<512x1024xf32, #tpu.memory_space<vmem>>, vector<512x1024xf32>
    tpu.vector_store %arg5[%swap3A_972, %swap3A_973], %select_n3A_971 {strides = array<i32>} : memref<512x1024xf32, #tpu.memory_space<vmem>>, vector<512x1024xf32>,
    %reduce_max3A_975 = arith.constant dense<0xFF800000> : vector<512xf32>
    %reduce_max3A_976 = vector.multi_reduction <maximumf>, %select_n3A_971, %reduce_max3A_975 [1] : vector<512x1024xf32> to vector<512xf32>
    %broadcast_in_dim3A_977 = vector.shape_cast %reduce_max3A_976 : vector<512xf32> to vector<512x1xf32>
    %eq3A_978 = vector.broadcast %broadcast_in_dim3A_977 : vector<512x1xf32> to vector<512x1024xf32>
    %eq3A_979 = arith.cmpf oeq, %select_n3A_971, %eq3A_978 : vector<512x1024xf32>
    %jit3A_980 = arith.constant 2.048000e+03 : f32
    %broadcast_in_dim3A_981 = vector.broadcast %jit3A_980 : f32 to vector<512x1024xf32>
    %select_n3A_982 = arith.select %eq3A_979, %convert_element_type3A, %broadcast_in_dim3A_981 : vector<512x1024xi1>, vector<512x1024xf32>
    %reduce_min3A_983 = arith.constant dense<0x7F800000> : vector<512xf32>
    %reduce_min3A_984 = vector.multi_reduction <minimumf>, %select_n3A_982, %reduce_min3A_983 [1] : vector<512x1024xf32> to vector<512xf32>
    %broadcast_in_dim3A_985 = vector.shape_cast %reduce_min3A_984 : vector<512xf32> to vector<512x1xf32>
    %convert_element_type3A_986 = arith.fptosi %broadcast_in_dim3A_985 : vector<512x1xf32> to vector<512x1xi32>
    %add3A_987 = vector.broadcast %mul3A_25 : i32 to vector<512x1xi32>
    %add3A_988 = arith.addi %convert_element_type3A_986, %add3A_987 : vector<512x1xi32>
    %swap3A_989 = arith.constant 0 : index
    %swap3A_990 = arith.constant 0 : index
    %swap3A_991 = arith.constant 31 : index
    %swap3A_992 = vector.load %arg4[%swap3A_989, %swap3A_990, %swap3A_991] : memref<1x512x32xi32, #tpu.memory_space<vmem>>, vector<1x512x1xi32>
    %swap3A_993 = vector.shape_cast %swap3A_992 : vector<1x512x1xi32> to vector<512x1xi32>
    %swap3A_994 = vector.shape_cast %add3A_988 : vector<512x1xi32> to vector<1x512x1xi32>
    tpu.vector_store %arg4[%swap3A_989, %swap3A_990, %swap3A_991], %swap3A_994 {strides = array<i32>} : memref<1x512x32xi32, #tpu.memory_space<vmem>>, vector<1x512x1xi32>,
    return
  }
  func.func @transform_0(%arg0: i32, %arg1: i32) -> (i32, i32, i32) {
    %add3A = arith.constant 4 : i32
    %add3A_0 = arith.addi %arg0, %add3A : i32
    %c0_i32 = arith.constant 0 : i32
    %c0_i32_1 = arith.constant 0 : i32
    return %add3A_0, %arg1, %c0_i32 : i32, i32, i32
  }
  func.func @transform_1(%arg0: i32, %arg1: i32) -> (i32, i32, i32) {
    %add3A = arith.constant 4 : i32
    %add3A_0 = arith.addi %arg0, %add3A : i32
    %c0_i32 = arith.constant 0 : i32
    %c0_i32_1 = arith.constant 0 : i32
    %c0_i32_2 = arith.constant 0 : i32
    return %add3A_0, %c0_i32, %c0_i32_1 : i32, i32, i32
  }
  func.func @transform_2(%arg0: i32, %arg1: i32) -> (i32, i32, i32) {
    %c0_i32 = arith.constant 0 : i32
    %c0_i32_0 = arith.constant 0 : i32
    return %arg0, %arg1, %c0_i32 : i32, i32, i32
  }
}

</mosaic_0001>

<sc_bundles>
// kernel: kernel.5.cloned.1.call-start
scs
__scs_entry_jumppad:
0x0: {  	(pc) =	sbr.rel $0x88, $3  }
0x1: {  	(tag) =	ssettag $0x0;
	lr =	simm.s32 $0x1  }
0x2: {  	[smem:$0x3FA0] =	sst lr;
	_ =	strace $0xD0000000  }
0x3: {  	_ = 	snop  }
0x4: {  	_ = 	snop  }
0x5: {  	_ = 	snop  }
0x6: {  	_ = 	snop  }
0x7: {  	_ = 	snop  }
__scs_overlays_trampoline_lowered:
0x8: {  	[smem:$0x3FAF] =	sst s0  }
0x9: {  	[smem:$0x3FB0] =	sst s1  }
0xa: {  	[smem:$0x3FB1] =	sst s2  }
0xb: {  	[smem:$0x3FB2] =	sst s3  }
0xc: {  	[smem:$0x3FB3] =	sst s4  }
0xd: {  	[smem:$0x3FB4] =	sst s5  }
0xe: {  	[smem:$0x3FB5] =	sst s6  }
0xf: {  	[smem:$0x3FB6] =	sst s7  }
0x10: {  	[smem:$0x3FB7] =	sst s8  }
0x11: {  	[smem:$0x3FB8] =	sst s9;
	s0 =	simm.s32 @!p0 $0x0  }
0x12: {  	s1 =	sld [smem:$0x3F9E];
	s0 =	simm.s32 @p0 $0x1  }
0x13: {  	[smem:$0x3FB9] =	sst s0;
	s0 =	simm.s32 @!p1 $0x0  }
0x14: {  	s2 =	sld [smem:$0x3F9D];
	s0 =	simm.s32 @p1 $0x1  }
0x15: {  	[smem:$0x3FBA] =	sst s0;
	s0 =	simm.s32 @!p2 $0x0  }
0x16: {  	s3 =	sld [smem:$0x3FDB];
	s0 =	simm.s32 @p2 $0x1  }
0x17: {  	s4 =	simm.s32 $0x1BF5;
	[smem:$0x3FBC] =	sst s0  }
0x18: {  	s0 =	sld [smem:$0x3F9F];
	_ =	swait.ge [sflag:s4], $0x0  }
0x19: {  	s7 =	sld [smem:$0x3FA0]  }
0x1a: {  	s8 =	sadd.s32 $0xFFFFE003, lr  }
0x1b: {  	s9 =	sadd.s32 $0xFFFFFEF7, lr;
	s5 =	simm.s32 $0xFFFFFFFF;
	p2 =	slt.u32 s8, $0xFFFFF086  }
0x1c: {  	p1 =	slt.u32 s9, $0xF7A;
	s5 =	simm.s32 @!p2 $0x0  }
0x1d: {  	s5 =	simm.s32 @p1 $0x1;
	p0 =	seq.s32 s7, s2  }
0x1e: {  	s7 =	smul.u32 @!p0 $0xF7A, s2;
	p2 =	seq.s32 @!p0 s5, $0x0  }
0x1f: {  	s9 =	smul.u32 $0xF7A, s1;
	s8 =	simm.s32 @!p0 $0x1BF5;
	p2 =	por !p2, p0  }
0x20: {  	[sflag:s8] =	ssyncset.s32 @!p0 $0xFFFFF086;
	s6 =	sadd.s32 @!p0 s3, s7;
	s7 =	simm.s32 @!p0 $0x108  }
0x21: {  	s3 =	sadd.s32 s3, s9;
	s6 =	sadd.s32 @!p0 $0x88, s6;
	s7 =	simm.s32 @p2 $0x1082  }
0x22: {  	[simem:s7], [sflag:s8] =	dma.local @!p0 [hbm:s6], $0xF7A  }
0x23: {  	s9 =	sor.u32 $0xD0000000, s2;
	s6 =	simm.s32 $0x108;
	_ =	swait.ge @!p0 [sflag:s8], $0x0  }
0x24: {  	s3 =	sadd.s32 $0x88, s3;
	s6 =	simm.s32 @!p1 $0x1082;
	[sflag:s4] =	ssyncset.s32 $0xFFFFF086  }
0x25: {  	[simem:s6], [sflag:s4] =	dma.local [hbm:s3], $0xF7A  }
0x26: {  	[smem:$0x3FA0] =	sst s1;
	(tag) =	ssettag s2;
	_ =	strace s9  }
0x27: {  	s1 =	sld [smem:$0x3FB0]  }
0x28: {  	s2 =	sld [smem:$0x3FB1]  }
0x29: {  	s4 =	sld [smem:$0x3FB3]  }
0x2a: {  	p0 =	seq.s32 s5, $0x0;
	s5 =	sld [smem:$0x3FB4]  }
0x2b: {  	s6 =	sld [smem:$0x3FB5]  }
0x2c: {  	s7 =	sld [smem:$0x3FB6]  }
0x2d: {  	s3 =	simm.s32 $0x108;
	s8 =	sld [smem:$0x3FB7]  }
0x2e: {  	s3 =	simm.s32 @!p0 $0x1082;
	s9 =	sld [smem:$0x3FB8]  }
0x2f: {  	lr =	sadd.s32 s0, s3;
	s0 =	sld [smem:$0x3FAF]  }
0x30: {  	s3 =	sld [smem:$0x3FB2]  }
0x31: {  	[smem:$0x3FBB] =	sst s10  }
0x32: {  	s10 =	sld [smem:$0x3FB9];
	_ =	sdelay $0x3  }
0x33: {  	p0 =	seq.s32 s10, $0x1;
	s10 =	sld [smem:$0x3FBB];
	_ =	sdelay $0x3  }
0x34: {  	[smem:$0x3FBB] =	sst s10  }
0x35: {  	s10 =	sld [smem:$0x3FBA];
	_ =	sdelay $0x3  }
0x36: {  	p1 =	seq.s32 s10, $0x1;
	s10 =	sld [smem:$0x3FBB];
	_ =	sdelay $0x3  }
0x37: {  	[smem:$0x3FBB] =	sst s10  }
0x38: {  	s10 =	sld [smem:$0x3FBC]  }
0x39: {  	_ = 	snop;
	(pc) =	sbr.ind lr, $3  }
0x3a: {  	_ = 	snop  }
0x3b: {  	_ = 	snop  }
0x3c: {  	p2 =	seq.s32 s10, $0x1;
	s10 =	sld [smem:$0x3FBB]  }
0x3d: {  	_ =	shalt  }
0x3e: {  	_ =	shalt  }
0x3f: {  	_ =	shalt  }
0x40: {  	_ =	shalt  }
0x41: {  	_ =	shalt  }
0x42: {  	_ =	shalt  }
0x43: {  	_ =	shalt  }
0x44: {  	_ =	shalt  }
0x45: {  	_ =	shalt  }
0x46: {  	_ =	shalt  }
0x47: {  	_ =	shalt  }
0x48: {  	_ =	shalt  }
0x49: {  	_ =	shalt  }
0x4a: {  	_ =	shalt  }
0x4b: {  	_ =	shalt  }
0x4c: {  	_ =	shalt  }
0x4d: {  	_ =	shalt  }
0x4e: {  	_ =	shalt  }
0x4f: {  	_ =	shalt  }
0x50: {  	_ =	shalt  }
0x51: {  	_ =	shalt  }
0x52: {  	_ =	shalt  }
0x53: {  	_ =	shalt  }
0x54: {  	_ =	shalt  }
0x55: {  	_ =	shalt  }
0x56: {  	_ =	shalt  }
0x57: {  	_ =	shalt  }
0x58: {  	_ =	shalt  }
0x59: {  	_ =	shalt  }
0x5a: {  	_ =	shalt  }
0x5b: {  	_ =	shalt  }
0x5c: {  	_ =	shalt  }
0x5d: {  	_ =	shalt  }
0x5e: {  	_ =	shalt  }
0x5f: {  	_ =	shalt  }
0x60: {  	_ =	shalt  }
0x61: {  	_ =	shalt  }
0x62: {  	_ =	shalt  }
0x63: {  	_ =	shalt  }
0x64: {  	_ =	shalt  }
0x65: {  	_ =	shalt  }
0x66: {  	_ =	shalt  }
0x67: {  	_ =	shalt  }
0x68: {  	_ =	shalt  }
0x69: {  	_ =	shalt  }
0x6a: {  	_ =	shalt  }
0x6b: {  	_ =	shalt  }
0x6c: {  	_ =	shalt  }
0x6d: {  	_ =	shalt  }
0x6e: {  	_ =	shalt  }
0x6f: {  	_ =	shalt  }
0x70: {  	_ =	shalt  }
0x71: {  	_ =	shalt  }
0x72: {  	_ =	shalt  }
0x73: {  	_ =	shalt  }
0x74: {  	_ =	shalt  }
0x75: {  	_ =	shalt  }
0x76: {  	_ =	shalt  }
0x77: {  	_ =	shalt  }
0x78: {  	_ =	shalt  }
0x79: {  	_ =	shalt  }
0x7a: {  	_ =	shalt  }
0x7b: {  	_ =	shalt  }
0x7c: {  	_ =	shalt  }
0x7d: {  	_ =	shalt  }
0x7e: {  	_ =	shalt  }
0x7f: {  	_ =	shalt  }
0x80: {  	_ =	shalt  }
0x81: {  	_ =	shalt  }
0x82: {  	_ =	shalt  }
0x83: {  	_ =	shalt  }
0x84: {  	_ =	shalt  }
0x85: {  	_ =	shalt  }
0x86: {  	_ =	shalt  }
0x87: {  	_ =	shalt  }
.Lfunc_end0:
.L_simem_size_0:
called_computation_lowered:
.L_overlay_start_0:
0x88: {  	s2 =	sld [smem:$0x3FD9]  }
0x89: {  	s3 =	sld [smem:$0x3FFE];
	_ =	sdelay $0x1  }
0x8a: {  	s1 =	srdreg.scid  }
0x8b: {  	s0 =	sand.u32 $0x1, s1  }
0x8c: {  	s16 =	sshll.u32 s0, $0xA;
	s2 =	sadd.s32 s3, s2  }
0x8d: {  	s2 =	sadd.s32 s2, s16  }
0x8e: {  	[smem:$0x3FC7] =	sst s2  }
0x8f: {  	_ = 	snop  }
0x90: {  	(tm) =	ssettm $0x1  }
0x91: {  	s17 =	sld [smem:$0x3FFB];
	_ =	sdelay $0x3  }
0x92: {  	_ =	strace s17  }
0x93: {  	s2 =	sld [smem:$0x3FFC];
	_ =	sdelay $0x3  }
0x94: {  	_ =	strace s2  }
0x95: {  	s2 =	sld [smem:$0x3FFD];
	_ =	sdelay $0x3  }
0x96: {  	_ =	strace s2  }
0x97: {  	_ =	strace $0x8FFFFFFF  }
0x98: {  	s18 =	sld [smem:$0x3FDB];
	_ =	sdelay $0x1  }
0x99: {  	s19 =	simm.s32 $_scs_section_size  }
0x9a: {  	s4 =	simm.s32 $_size__tile_overlayer_lowered;
	s5 =	simm.s32 $_tile_overlayer_lowered  }
0x9b: {  	s22 =	simm.s32 $0x1BFF;
	s21 =	sshll.u32 s5, $0x1;
	s2 =	sadd.s32 s19, s18  }
0x9c: {  	s6 =	simm.s32 $0x0;
	s20 =	sshll.u32 s4, $0x1;
	s4 =	sadd.s32 s21, s2  }
0x9d: {  	[timem:s6], [sflag:s22] =	dma.local [hbm:s4], s20  }
0x9e: {  	_ =	swait.ge [sflag:s22], s20  }
0x9f: {  	s3 =	ssub.s32 $0x0, s20;
	[sflag:s22] =	ssyncset.done $0x0  }
0xa0: {  	[sflag:s22] =	ssyncadd.s32 s3;
	_ =	sdelay $0x1  }
0xa1: {  	s23 =	simm.s32 $0x1B8B  }
0xa2: {  	_ =	swait.ge [sflag:s23], $0x1  }
0xa3: {  	[sflag:s23] =	ssyncset.done $0x0  }
0xa4: {  	s25 =	simm.s32 $0x1B8E;
	s24 =	sld [smem:$0x3FFE];
	[sflag:s23] =	ssyncadd.s32 $0xFFFFFFFF  }
0xa5: {  	s26 =	simm.s32 $execute0_lowered;
	[smem:$0x3FD2] =	sst s25  }
0xa6: {  	s4 =	sshll.u32 s26, $0x1;
	_ =	strace $0x80000046;
	[dreg:$0x1] =	wrdreg $0xFFFFFFFF  }
0xa7: {  	s28 =	simm.s32 $_size_execute0_lowered;
	s2 =	sadd.s32 s2, s4;
	[dreg:$0x0] =	wrdreg $0x0  }
0xa8: {  	s4 =	sshll.u32 s28, $0x1;
	[dreg:$0x2] =	wrdreg s2  }
0xa9: {  	[dreg:$0x3] =	wrdreg s4  }
0xaa: {  	[dreg:$0x4] =	wrdreg $0xC0  }
0xab: {  	_ =	task [dreg:s6], $0x5FFFF  }
0xac: {  	[dreg:$0x1] =	wrdreg $0xFFFFFFFF  }
0xad: {  	[dreg:$0x0] =	wrdreg $0x60  }
0xae: {  	[dreg:$0x2] =	wrdreg s24  }
0xaf: {  	[dreg:$0x3] =	wrdreg $0x9  }
0xb0: {  	_ =	task.clear_ibuf [dreg:s6], $0x4FFFF;
	_ =	strace $0x90000046  }
0xb1: {  	s29 =	simm.s32 $0x9;
	_ =	strace $0x80000048  }
0xb2: {  	_ =	swait.ge [sflag:s29], $0x1  }
0xb3: {  	[sflag:s29] =	ssyncadd.s32 $0xFFFFFFFF  }
0xb4: {  	_ =	strace $0x90000048  }
0xb5: {  	_ =	sfence  }
0xb6: {  	s30 =	sld [smem:$0x0];
	_ =	sdelay $0x2  }
0xb7: {  	s31 =	sshll.u32 s1, $0xD;
	s1 =	sshrl.u32 s1, $0x2  }
0xb8: {  	s3 =	sand.u32 $0x4000, s31;
	s1 =	sadd.s32 s1, s30  }
0xb9: {  	s0 =	sor.u32 s3, s0;
	s1 =	sshll.u32 s1, $0x11  }
0xba: {  	s0 =	sor.u32 s1, s0  }
0xbb: {  	s0 =	sadd.s32 $0x8F2B, s0  }
0xbc: {  	[sflag:s0] =	ssyncadd.remote.s32 $0x1  }
0xbd: {  	_ =	sfence.sel $0xFFFF  }
0xbe: {  	[dreg:$0x0] =	wrdreg $0xFFFFFFFF;
	(pc) =	sbr.abs _section_cstart, $3  }
0xbf: {  	[dreg:$0x1] =	wrdreg $0xFFFFFFFF  }
0xc0: {  	_ =	task.clear_ibuf [dreg:s6], $0x2FFFF;
	_ =	strace $0x9FFFFFFF  }
0xc1: {  	(tm) =	ssettm $0x7FFFFFFF  }
tec
execute0_lowered:
.L_overlay_start_1:
0x0: {  	(tag) =	ssettag $0x1  }
0x1: {  	s2 =	rddreg [dreg:$0x0]  }
0x2: {  	s0 =	rddreg [dreg:$0x1];
	s1 =	simm.s32 $0x0  }
0x3: {  	s3 =	srdreg.scid;
	s8 =	simm.s32 $0x8000;
	s9 =	simm.s32 $0x0  }
0x4: {  	[smem:$0x7FF] =	sst s1;
	s5 =	sand.u32 $0x1, s3;
	s3 =	sadd.s32 $0x600, s2  }
0x5: {  	v0 =	vlaneseq.u32;
	s4 =	sadd.s32 $0x80600, s2;
	s2 =	stileid.u32;
	s6 =	ssub.s32 $0x2, s5  }
0x6: {  	v2 =	vmul.u32 $0xFFFFFFFF, v0;
	_ =	strace $0x80000047;
	s31 =	sshll.u32 s2, $0x8;
	s7 =	sshrl.u32 s6, $0x1  }
0x7: {  	s5 =	sshll.u32 s5, $0x7;
	s6 =	ssub.s32 s6, s7;
	s7 =	sand.u32 $0xC00, s31  }
0x8: {  	s5 =	sor.u32 s31, s5;
	v2 =	vadd.s32 $0xF, v2;
	s6 =	smax.u32 s6, $0x1;
	v1 =	vmov s7;
	s7 =	simm.s32 $0x1  }
.LBB2_1:
0x9: {  	s10 =	simm.s32 $0x0  }
.LBB2_2:
0xa: {  	s11 =	sshll.u32 s10, $0x5  }
0xb: {  	s11 =	sadd.s32 s5, s11  }
0xc: {  	s12 =	sshll.u32 s11, $0x7  }
0xd: {  	s13 =	sadd.s32 s3, s12;
	s12 =	simm.s32 $0x0  }
0xe: {  	[tilespmem:s12], [sflag:$0x1] =	stream.linear.gather [hbm4b:s13+s12], $0x8000, $0x38;
	[tilespmem:$0x9000] =	vst v63  }
0xf: {  	_ =	swait.ge [sflag:s7], $0x8000  }
0x10: {  	[sflag:s7] =	ssyncset.done $0x0  }
0x11: {  	s13 =	simm.s32 $0x0;
	[sflag:s7] =	ssyncadd.s32 $0xFFFF8000  }
.LBB2_3:
0x12: {  	s15 =	sshll.u32 s13, $0xB  }
0x13: {  	s18 =	sand.u32 $0x1C00, s12;
	s16 =	sand.u32 $0x6000, s15;
	s15 =	sshll.u32 s13, $0x8  }
0x14: {  	s14 =	sshllo.u32 s13, $0x1;
	s17 =	sand.u32 $0x300, s15;
	s19 =	sadd.s32 s18, s16  }
0x15: {  	s20 =	sand.u32 $0x70, s12;
	s14 =	sshll.u32 s14, $0x7;
	s21 =	sadd.s32 s17, s19  }
0x16: {  	s18 =	sand.u32 $0x380, s14;
	s21 =	sadd.s32 s20, s21  }
0x17: {  	s19 =	sadd.s32 s18, s19;
	v3 =	vld [tilespmem:s21+$0x0]  }
0x18: {  	s19 =	sadd.s32 s20, s19  }
0x19: {  	v4 =	vld [tilespmem:s19+$0x0];
	_ =	sdelay $0x1  }
0x1a: {  	v5 =	vor.u32 s12, v0  }
0x1b: {  	(xrf1) =	vsort.dscd.msk.f32 $0xffff, v3, v5;
	_ =	sdelay $0x1  }
0x1c: {  	(xrf1) =	vsort.dscd.msk.f32 $0xffff, v4, v5;
	_ =	sdelay $0xb  }
0x1d: {  	v3, v5, _ =	vpop (xrf1)  }
0x1e: {  	v6 =	vperm.xlane v3, v2  }
0x1f: {  	v4 =	vimm.f32 $-Inf;
	v3, v7, _ =	vpop (xrf1);
	v5 =	vperm.xlane v5, v2  }
0x20: {  	v8 =	vperm.xlane v3, v2;
	v3 =	vimm.s32 $0x0;
	vm0 =	vge.f32 v4, v6  }
0x21: {  	v6 =	vmax.f32 v4, v6;
	v5 =	vsel vm0, v3, v5  }
0x22: {  	v7 =	vperm.xlane v7, v2;
	(xrf1) =	vsort.dscd.msk.f32 $0xffff, v6, v5  }
0x23: {  	vm15 =	vge.f32 v4, v8  }
0x24: {  	v5 =	vmax.f32 v4, v8;
	v6 =	vsel vm15, v3, v7  }
0x25: {  	s19 =	simm.s32 $0x80;
	(xrf1) =	vsort.dscd.msk.f32 $0xffff, v5, v6  }
0x26: {  	s30 =	sand.u32 $0x1C00, s19  }
0x27: {  	s31 =	simm.s32 $0x10;
	s20 =	sadd.s32 s30, s16  }
0x28: {  	s22 =	sand.u32 $0x70, s31;
	s23 =	sadd.s32 s17, s20  }
0x29: {  	s20 =	sadd.s32 s18, s20;
	s23 =	sadd.s32 s22, s23  }
0x2a: {  	s22 =	sadd.s32 s22, s20;
	v9 =	vld [tilespmem:s23+$0x0]  }
0x2b: {  	v7 =	vld [tilespmem:s22+$0x0];
	_ =	sdelay $0x2  }
0x2c: {  	v8 =	vor.u32 s31, v0  }
0x2d: {  	s20 =	simm.s32 $0x20;
	v6 =	vimm.f32 $-Inf;
	v5 =	vimm.s32 $0x0;
	(xrf1) =	vsort.dscd.msk.f32 $0xffff, v9, v8  }
.LBB2_4:
0x2e: {  	p0 =	sne.s32 s20, $0x3F0;
	(xrf1) =	vsort.dscd.msk.f32 $0xffff, v7, v8;
	v7, v8, _ =	vpop (xrf1);
	s21 =	smov.u32 s20;
	s20 =	sadd.s32 $0x10, s20  }
0x2f: {  	v11 =	vperm.xlane v7, v2  }
0x30: {  	v8 =	vperm.xlane v8, v2  }
0x31: {  	vm0 =	vge.f32 v4, v11;
	v9 =	vmax.f32 v4, v11;
	v4 =	vmin.f32 v4, v11;
	v7, v10, _ =	vpop (xrf1)  }
0x32: {  	v11 =	vsel vm0, v3, v8;
	v3 =	vsel vm0, v8, v3;
	v7 =	vperm.xlane v7, v2  }
0x33: {  	v8 =	vperm.xlane v10, v2;
	(xrf1) =	vsort.dscd.msk.f32 $0xffff, v9, v11  }
0x34: {  	vm0 =	vge.f32 v6, v7;
	v9 =	vmin.f32 v6, v7;
	(xrf1) =	vsort.dscd.msk.f32 $0xffff, v4, v3  }
0x35: {  	v3 =	vmax.f32 v6, v7;
	v4 =	vsel vm0, v5, v8;
	v5 =	vsel vm0, v8, v5  }
0x36: {  	(xrf1) =	vsort.dscd.msk.f32 $0xffff, v3, v4  }
0x37: {  	(xrf1) =	vsort.dscd.msk.f32 $0xffff, v9, v5;
	_ =	sdelay $0x3  }
0x38: {  	v3, v4, _ =	vpop (xrf1)  }
0x39: {  	v5 =	vperm.xlane v3, v2;
	v3, v6, _ =	vpop (xrf1)  }
0x3a: {  	v7 =	vperm.xlane v4, v2  }
0x3b: {  	v8 =	vperm.xlane v3, v2  }
0x3c: {  	v9 =	vperm.xlane v6, v2;
	_ =	sdelay $0x1  }
0x3d: {  	v4, v3, _ =	vpop (xrf1)  }
0x3e: {  	v6, v10, _ =	vpop (xrf1)  }
0x3f: {  	vm0 =	vge.f32 v6, v5;
	v11 =	vmax.f32 v6, v5  }
0x40: {  	v12 =	vsel vm0, v10, v7;
	v6, v5, _ =	vpop (xrf1)  }
0x41: {  	(xrf1) =	vsort.dscd.msk.f32 $0xffff, v11, v12;
	v7, v10, _ =	vpop (xrf1)  }
0x42: {  	vm0 =	vge.f32 v7, v8  }
0x43: {  	v7 =	vmax.f32 v7, v8;
	v8 =	vsel vm0, v10, v9  }
0x44: {  	s19 =	sadd.s32 $0x80, s19;
	(xrf1) =	vsort.dscd.msk.f32 $0xffff, v7, v8  }
0x45: {  	s22 =	sand.u32 $0x1C00, s19  }
0x46: {  	s22 =	sadd.s32 s22, s16  }
0x47: {  	s23 =	sand.u32 $0x70, s21;
	s24 =	sadd.s32 s17, s22;
	s22 =	sadd.s32 s18, s22  }
0x48: {  	s24 =	sadd.s32 s23, s24;
	s22 =	sadd.s32 s23, s22  }
0x49: {  	v9 =	vld [tilespmem:s24+$0x0]  }
.Ltmp0:
0x4a: {  	v7 =	vld [tilespmem:s22+$0x0];
	(pc) =	sbr.rel @p0 .LBB2_4-.Ltmp0, $3  }
0x4b: {  	_ =	sdelay $0x1  }
0x4c: {  	v8 =	vor.u32 s21, v0  }
0x4d: {  	(xrf1) =	vsort.dscd.msk.f32 $0xffff, v9, v8  }
0x4e: {  	v9, v10, _ =	vpop (xrf1)  }
0x4f: {  	v9 =	vperm.xlane v9, v2  }
0x50: {  	v38 =	vperm.xlane v10, v2  }
0x51: {  	(xrf1) =	vsort.dscd.msk.f32 $0xffff, v7, v8;
	v39, v40, _ =	vpop (xrf1);
	vm0 =	vge.f32 v4, v9;
	v11 =	vmax.f32 v4, v9  }
0x52: {  	v41 =	vmin.f32 v4, v9;
	v8 =	vperm.xlane v39, v2;
	v42 =	vsel vm0, v3, v38  }
0x53: {  	v10 =	vperm.xlane v40, v2;
	v3 =	vsel vm0, v38, v3;
	(xrf1) =	vsort.dscd.msk.f32 $0xffff, v11, v42  }
0x54: {  	vm11 =	vge.f32 v6, v8;
	(xrf1) =	vsort.dscd.msk.f32 $0xffff, v41, v3  }
0x55: {  	v3 =	vmax.f32 v6, v8;
	v43 =	vsel vm11, v5, v10  }
0x56: {  	v44 =	vmin.f32 v6, v8;
	v45 =	vsel vm11, v10, v5;
	(xrf1) =	vsort.dscd.msk.f32 $0xffff, v3, v43  }
0x57: {  	(xrf1) =	vsort.dscd.msk.f32 $0xffff, v44, v45;
	_ =	sdelay $0x7  }
0x58: {  	v3, v4, _ =	vpop (xrf1)  }
0x59: {  	v5, v6, _ =	vpop (xrf1)  }
0x5a: {  	v3 =	vperm.xlane v3, v2;
	v46, v47, _ =	vpop (xrf1)  }
0x5b: {  	v4 =	vperm.xlane v4, v2;
	v48, v49, _ =	vpop (xrf1)  }
0x5c: {  	vm12 =	vge.f32 v48, v3  }
0x5d: {  	v5 =	vperm.xlane v5, v2;
	v3 =	vmax.f32 v48, v3;
	v50, v12, _ =	vpop (xrf1);
	v4 =	vsel vm12, v49, v4  }
0x5e: {  	v6 =	vperm.xlane v6, v2;
	v51, v52, _ =	vpop (xrf1);
	(xrf1) =	vsort.dscd.msk.f32 $0xffff, v3, v4  }
0x5f: {  	vm13 =	vge.f32 v51, v5  }
0x60: {  	v3 =	vmax.f32 v51, v5;
	v53 =	vsel vm13, v52, v6  }
0x61: {  	(xrf1) =	vsort.dscd.msk.f32 $0xffff, v3, v53;
	_ =	sdelay $0xa  }
0x62: {  	v3, v4, _ =	vpop (xrf1)  }
0x63: {  	v3 =	vperm.xlane v3, v2  }
0x64: {  	v4 =	vperm.xlane v4, v2  }
0x65: {  	v54, v55, _ =	vpop (xrf1);
	vm14 =	vge.f32 v46, v3;
	v56 =	vmax.f32 v46, v3  }
0x66: {  	v3 =	vmin.f32 v46, v3;
	v5 =	vperm.xlane v54, v2;
	v57 =	vsel vm14, v47, v4  }
0x67: {  	v6 =	vperm.xlane v55, v2;
	v4 =	vsel vm14, v4, v47;
	(xrf1) =	vsort.dscd.msk.f32 $0xffff, v56, v57  }
0x68: {  	vm15 =	vge.f32 v50, v5;
	(xrf1) =	vsort.dscd.msk.f32 $0xffff, v3, v4  }
0x69: {  	v3 =	vmax.f32 v50, v5;
	v58 =	vsel vm15, v12, v6  }
0x6a: {  	v5 =	vmin.f32 v50, v5;
	v6 =	vsel vm15, v6, v12;
	(xrf1) =	vsort.dscd.msk.f32 $0xffff, v3, v58  }
0x6b: {  	(xrf1) =	vsort.dscd.msk.f32 $0xffff, v5, v6;
	_ =	sdelay $0x9  }
0x6c: {  	s13 =	sadd.s32 $0x1, s13;
	v3, v4, _ =	vpop (xrf1)  }
0x6d: {  	p0 =	sne.s32 s13, $0x10;
	v3, v59, _ =	vpop (xrf1)  }
.Ltmp1:
0x6e: {  	s15 =	sand.u32 $0x3FFFFF00, s15;
	v3 =	vadd.s32 v1, v4;
	(pc) =	sbr.rel @p0 .LBB2_3-.Ltmp1, $4  }
0x6f: {  	v61, v60, _ =	vpop (xrf1);
	[tilespmem:s15+$0x8000] =	vst v3;
	v3 =	vadd.s32 v1, v59  }
0x70: {  	s14 =	sand.u32 $0x3FFFFF80, s14;
	v62, v63, _ =	vpop (xrf1);
	[tilespmem:s15+$0x8010] =	vst v3;
	v3 =	vadd.s32 v1, v60  }
0x71: {  	[tilespmem:s14+$0x8000] =	vst v3;
	v3 =	vadd.s32 v1, v63  }
0x72: {  	[tilespmem:s14+$0x8010] =	vst v3  }
0x73: {  	s10 =	sadd.s32 $0x1, s10  }
0x74: {  	s11 =	sshll.u32 s11, $0x4;
	p0 =	sne.s32 s10, $0x4  }
.Ltmp2:
0x75: {  	s11 =	sadd.s32 s4, s11;
	(pc) =	sbr.rel @p0 .LBB2_2-.Ltmp2, $4  }
0x76: {  	[hbm4b:s11+s1] =	stream.linear.scatter [tilespmem:s8], [sflag:$0x1], $0x1000, $0x38;
	[tilespmem:$0x9000] =	vst v63  }
0x77: {  	_ =	swait.ge [sflag:s7], $0x1000  }
0x78: {  	[sflag:s7] =	ssyncset.done $0x0  }
0x79: {  	[sflag:s7] =	ssyncadd.s32 $0xFFFFF000  }
0x7a: {  	s9 =	sadd.s32 $0x1, s9  }
0x7b: {  	p0 =	sne.s32 s9, s6  }
.Ltmp3:
0x7c: {  	_ = 	snop;
	(pc) =	sbr.rel @p0 .LBB2_1-.Ltmp3, $1  }
0x7d: {  	_ =	sdelay $0x3  }
0x7e: {  	_ =	sfence.sel $0x180000  }
0x7f: {  	[bflag:$0x0] =	sbarrier.arrive $0xFFFF  }
0x80: {  	p0 =	sne.s32 s2, $0x0;
	_ =	strace $0x90000047  }
0x81: {  	s0 =	sadd.s32 @!p0 $0x100000, s0;
	[bflag:$0x2] =	sbarrier.arrive $0xFFFF  }
0x82: {  	[sflag:s0] =	ssyncadd.tile.s32 @!p0 $0x1;
	_ =	shalt  }
.Lfunc_end2:
_tile_overlayer_lowered:
.L_overlay_start_2:
0x83: {  	(tag) =	ssettag $0x2  }
0x84: {  	s0 =	rddreg [dreg:$0x0];
	s2 =	stileid.u32  }
0x85: {  	s1 =	rddreg [dreg:$0x1];
	p0 =	sne.s32 s2, $0x0  }
0x86: {  	s3 =	rddreg [dreg:$0x2];
	[bflag:$0x3] =	sbarrier.arrive $0xFFFF;
	s2 =	simm.s32 @!p0 $0x1C01  }
0x87: {  	[timem:s3], [sflag:s2] =	dma.local @!p0 [hbm:s0], s1  }
0x88: {  	s0 =	simm.s32 @!p0 $0x1  }
0x89: {  	_ =	swait.ge @!p0 [sflag:s0], s1  }
0x8a: {  	s1 =	ssub.s32 @!p0 $0x0, s1;
	[sflag:s0] =	ssyncset.done @!p0 $0x0  }
0x8b: {  	[sflag:s0] =	ssyncadd.s32 @!p0 s1  }
0x8c: {  	[bflag:$0x3] =	sbarrier.arrive $0xFFFF  }
0x8d: {  	_ =	shalt  }

</sc_bundles>
